<compile_context>
chip_gen: v7x
topology: tpu7x:2x2x1
jax: 0.10.2.dev20260603
libtpu: 0.0.44.dev20260713+nightly
codegen_flags: <defaults>
</compile_context>

<pallas_src>
import functools

import jax
import jax.numpy as jnp
from jax import lax
from jax.experimental import pallas as pl
from jax.experimental.pallas import tpu as pltpu
from jax.experimental.pallas import tpu_sc as plsc

N_NODES = 10000
D = 128
E = 320000
NC = 2
NS = 16
NT = NC * NS
KC = 128
KT = 16
EPT = E // NT
CHF = (EPT - KT) // KC
NBUF = 2
G = CHF // NBUF
ZC = 80
NZ = N_NODES // ZC
NW = (NZ + NS - 1) // NS
L = 16


def _sc_segment_sum(src, dst, feat):
    mesh = plsc.VectorSubcoreMesh(core_axis_name="c", subcore_axis_name="s")

    @functools.partial(
        pl.kernel,
        out_type=(
            jax.ShapeDtypeStruct((NC, N_NODES, D), jnp.float32),
            jax.ShapeDtypeStruct((NC, N_NODES, D), jnp.float32),
        ),
        mesh=mesh,
        scratch_types=[
            pltpu.VMEM((EPT,), jnp.int32),
            pltpu.VMEM((NBUF, KC), jnp.int32),
            pltpu.VMEM((KT,), jnp.int32),
            pltpu.VMEM((NBUF, KC, D), jnp.float32),
            pltpu.SemaphoreType.DMA((NBUF,)),
            pltpu.SemaphoreType.DMA((NBUF,)),
            pltpu.SemaphoreType.DMA,
            pltpu.VMEM_SHARED((N_NODES, D), jnp.float32),
        ],
    )
    def sc_fn(src_hbm, dst_hbm, feat_hbm,
              sum_hbm, deg_hbm,
              srcall_v, dstk_v, dstt_v, rows_v, gsem, isem, wsem, acc_sh):
        c = lax.axis_index("c")
        s = lax.axis_index("s")
        wid = c * NS + s

        zvec = jnp.zeros((L,), jnp.float32)
        onevec = jnp.ones((L,), jnp.float32)

        def fill_slot0(vec):
            @pl.loop(0, KC)
            def _(r):
                @pl.loop(0, D // L)
                def _(q):
                    rows_v.at[0, r, pl.ds(q * L, L)][...] = vec

        def stage(b, n):
            return rows_v.at[b, pl.ds(0, n), :]

        def zero_acc():
            @pl.loop(0, NW)
            def _(i):
                cid = i * NS + s

                @pl.when(cid < NZ)
                def _():
                    pltpu.async_copy(
                        stage(0, ZC), acc_sh.at[pl.ds(cid * ZC, ZC)], wsem)

            @pl.loop(0, NW)
            def _(i):
                @pl.when(i * NS + s < NZ)
                def _():
                    pltpu.make_async_copy(
                        stage(0, ZC), acc_sh.at[pl.ds(0, ZC)], wsem).wait()

        def write_acc(out_hbm):
            @pl.loop(0, NW, step=2)
            def _(i):
                for b in range(2):
                    ii = i + b
                    cid = ii * NS + s

                    @pl.when(cid < NZ)
                    def _():
                        @pl.when(ii >= 2)
                        def _():
                            pltpu.make_async_copy(
                                stage(b, ZC), out_hbm.at[c, pl.ds(0, ZC)],
                                wsem).wait()
                        base = cid * ZC
                        pltpu.sync_copy(acc_sh.at[pl.ds(base, ZC)],
                                        stage(b, ZC))
                        pltpu.async_copy(
                            stage(b, ZC), out_hbm.at[c, pl.ds(base, ZC)],
                            wsem)

            for b in range(2):
                pltpu.make_async_copy(
                    stage(b, ZC), out_hbm.at[c, pl.ds(0, ZC)], wsem).wait()

        def src_idx(j):
            return srcall_v.at[pl.ds(j * KC, KC)]

        def fire_dst_idx(j, b):
            pltpu.async_copy(
                dst_hbm.at[pl.ds(wid * EPT + j * KC, KC)], dstk_v.at[b],
                isem.at[b])

        def wait_dst_idx(b):
            pltpu.make_async_copy(
                dst_hbm.at[pl.ds(0, KC)], dstk_v.at[b], isem.at[b]).wait()

        def load_tail_dst():
            pltpu.sync_copy(
                dst_hbm.at[pl.ds(wid * EPT + CHF * KC, KT)], dstt_v)

        pltpu.sync_copy(src_hbm.at[pl.ds(wid * EPT, EPT)], srcall_v)

        fill_slot0(zvec)
        zero_acc()
        plsc.subcore_barrier()

        for b in range(NBUF):
            pltpu.async_copy(
                feat_hbm.at[src_idx(b)], rows_v.at[b], gsem.at[b])
            fire_dst_idx(b, b)

        @pl.loop(0, G)
        def _(g):
            j0 = g * NBUF
            for b in range(NBUF):
                pltpu.make_async_copy(
                    feat_hbm.at[pl.ds(0, KC)], rows_v.at[b],
                    gsem.at[b]).wait()
                wait_dst_idx(b)
                pltpu.sync_copy(rows_v.at[b], acc_sh.at[dstk_v.at[b]],
                                add=True)

                @pl.when(j0 + b + NBUF < CHF)
                def _():
                    pltpu.async_copy(
                        feat_hbm.at[src_idx(j0 + b + NBUF)],
                        rows_v.at[b], gsem.at[b])
                    fire_dst_idx(j0 + b + NBUF, b)

        load_tail_dst()
        pltpu.async_copy(
            feat_hbm.at[srcall_v.at[pl.ds(CHF * KC, KT)]],
            stage(0, KT), gsem.at[0]).wait()
        pltpu.sync_copy(stage(0, KT), acc_sh.at[dstt_v], add=True)

        plsc.subcore_barrier()
        write_acc(sum_hbm)
        plsc.subcore_barrier()

        fill_slot0(onevec)
        ones_v = rows_v.at[0]

        for b in range(NBUF):
            fire_dst_idx(b, b)

        @pl.loop(0, G)
        def _(g):
            j0 = g * NBUF
            for b in range(NBUF):
                wait_dst_idx(b)
                pltpu.sync_copy(ones_v, acc_sh.at[dstk_v.at[b]], add=True)

                @pl.when(j0 + b + NBUF < CHF)
                def _():
                    fire_dst_idx(j0 + b + NBUF, b)

        load_tail_dst()
        pltpu.sync_copy(stage(0, KT), acc_sh.at[dstt_v], add=True)

        plsc.subcore_barrier()
        write_acc(deg_hbm)

    return sc_fn(src, dst, feat)


def _tc_combine(feat, parts, dparts, wst, wnt):
    B = 2000

    def body(feat_ref, p_ref, d_ref, wst_ref, wnt_ref, out_ref):
        ssum = p_ref[0] + p_ref[1]
        deg = (d_ref[0, :, 0:1] + d_ref[1, :, 0:1]) - (
            p_ref[0, :, 0:1] + p_ref[1, :, 0:1])
        h = ssum / jnp.maximum(deg, 1.0)
        out_ref[...] = (
            jnp.dot(feat_ref[...], wst_ref[...],
                    preferred_element_type=jnp.float32)
            + jnp.dot(h, wnt_ref[...], preferred_element_type=jnp.float32))

    return pl.pallas_call(
        body,
        grid=(N_NODES // B,),
        in_specs=[
            pl.BlockSpec((B, D), lambda i: (i, 0)),
            pl.BlockSpec((NC, B, D), lambda i: (0, i, 0)),
            pl.BlockSpec((NC, B, D), lambda i: (0, i, 0)),
            pl.BlockSpec((D, D), lambda i: (0, 0)),
            pl.BlockSpec((D, D), lambda i: (0, 0)),
        ],
        out_specs=pl.BlockSpec((B, D), lambda i: (i, 0)),
        out_shape=jax.ShapeDtypeStruct((N_NODES, D), jnp.float32),
    )(feat, parts, dparts, wst, wnt)


def kernel(feat, edge_index, W_self, W_neigh):
    src = edge_index[0].reshape(E)
    dst = edge_index[1].reshape(E)
    parts, dparts = _sc_segment_sum(src, dst, feat)
    return _tc_combine(feat, parts, dparts, W_self.T, W_neigh.T)

# --- scband reference (transcript-rebuilt; emitter-appended) ---
"""Pipeline reference for scband-sageconv-87677462380712 (READ-ONLY COPY).

The authoritative reference and input builder live on the scoring server;
editing this copy changes nothing except your own understanding.
"""

import jax, jax.numpy as jnp
import numpy as np

N_NODES = 10000
N_EDGES = 320000
D_IN = 128
D_OUT = 128


def setup_inputs(seed: int = 0) -> dict:
    key = jax.random.key(seed)
    k1, k2, k3, k4 = jax.random.split(key, 4)
    feat = jax.random.normal(k1, (N_NODES, D_IN), dtype=jnp.float32)
    edge_index = jax.random.randint(k2, (2, N_EDGES), 0, N_NODES, dtype=jnp.int32)
    # Xavier-uniform init (gain for relu), Linear weights stored as [out, in] like torch
    gain = float(np.sqrt(2.0))
    bound = gain * float(np.sqrt(6.0 / (D_IN + D_OUT)))
    W_self = jax.random.uniform(k3, (D_OUT, D_IN), minval=-bound, maxval=bound, dtype=jnp.float32)
    W_neigh = jax.random.uniform(k4, (D_OUT, D_IN), minval=-bound, maxval=bound, dtype=jnp.float32)
    return {"feat": feat, "edge_index": edge_index, "W_self": W_self, "W_neigh": W_neigh}


def reference(feat, edge_index, W_self, W_neigh):
    # SAGEConv with aggregator_type='mean', bias=False:
    #   h_neigh = fc_neigh(mean over incoming messages of feat_src)
    #   rst = fc_self(feat_dst) + h_neigh
    src = edge_index[0]
    dst = edge_index[1]
    # copy_src message: gather source node features per edge
    msg = jnp.take(feat, src, axis=0)                       # [E, D_IN] gather
    # fn.mean('m','neigh'): segment-sum over dst then divide by in-degree
    summed = jax.ops.segment_sum(msg, dst, num_segments=N_NODES)          # [N, D_IN] scatter-add
    deg = jax.ops.segment_sum(jnp.ones((msg.shape[0],), jnp.float32), dst, num_segments=N_NODES)
    h_neigh = summed / jnp.clip(deg, 1.0, None)[:, None]    # zero-degree nodes -> 0
    h_neigh = h_neigh @ W_neigh.T
    h_self = feat @ W_self.T
    rst = h_self + h_neigh
    return rst

if __name__ == "__main__":
    import jax
    _d = setup_inputs()
    print(jax.jit(kernel)(*tuple(_d.values())))

</pallas_src>

<mosaic_0001>
#map = affine_map<(d0, d1) -> (0)>
#map1 = affine_map<(d0, d1) -> (0, 0)>
#map2 = affine_map<(d0, d1) -> (0, 0, 0)>
module attributes {stable_mosaic.version = 14 : i64} {
  func.func @sc_fn(%arg0: i32, %arg1: i32, %arg2: memref<320000xi32, #tpu.memory_space<hbm>>, %arg3: memref<320000xi32, #tpu.memory_space<hbm>>, %arg4: memref<10000x128xf32, #tpu.memory_space<hbm>>, %arg5: memref<2x10000x128xf32, #tpu.memory_space<hbm>>, %arg6: memref<2x10000x128xf32, #tpu.memory_space<hbm>>, %arg7: memref<10000xi32, #tpu.memory_space<vmem>>, %arg8: memref<2x128xi32, #tpu.memory_space<vmem>>, %arg9: memref<16xi32, #tpu.memory_space<vmem>>, %arg10: memref<2x128x128xf32, #tpu.memory_space<vmem>>, %arg11: memref<2x!tpu.dma_semaphore, #tpu.memory_space<semaphore_mem>>, %arg12: memref<2x!tpu.dma_semaphore, #tpu.memory_space<semaphore_mem>>, %arg13: memref<!tpu.dma_semaphore, #tpu.memory_space<semaphore_mem>>, %arg14: memref<10000x128xf32, #tpu.memory_space<vmem_shared>>) attributes {dimension_semantics = [#tpu.dimension_semantics<core_parallel>, #tpu.dimension_semantics<subcore_parallel>], iteration_bounds = array<i64: 2, 16>, scalar_prefetch = 0 : i64, scratch_operands = 8 : i64, tpu.core_type = #tpu.core_type<sc_vector_subcore>, window_params = [{transform_indices = #map}, {transform_indices = #map}, {transform_indices = #map1}, {transform_indices = #map2}, {transform_indices = #map2}]} {
    %mul3A = arith.constant 16 : i32
    %mul3A_0 = arith.muli %arg0, %mul3A : i32
    %add3A = arith.addi %mul3A_0, %arg1 : i32
    %broadcast_in_dim3A = arith.constant 0.000000e+00 : f32
    %broadcast_in_dim3A_1 = vector.broadcast %broadcast_in_dim3A : f32 to vector<16xf32>
    %broadcast_in_dim3A_2 = arith.constant 1.000000e+00 : f32
    %broadcast_in_dim3A_3 = vector.broadcast %broadcast_in_dim3A_2 : f32 to vector<16xf32>
    %mul3A_4 = arith.constant 10000 : i32
    %mul3A_5 = arith.muli %add3A, %mul3A_4 : i32
    "tpu.region"() ({
      %run_scoped3A_240 = tpu.sem_alloc : memref<!tpu.dma_semaphore, #tpu.memory_space<semaphore_mem>>
      %dma_start3A_241 = tpu.memref_slice %arg2[%mul3A_5] : memref<320000xi32, #tpu.memory_space<hbm>> -> memref<10000xi32, #tpu.memory_space<hbm>>
      %dma_start3A_242 = tpu.memref_slice %arg2[%mul3A_5] : memref<320000xi32, #tpu.memory_space<hbm>> -> memref<10000xi32, #tpu.memory_space<hbm>>
      tpu.enqueue_dma source(%dma_start3A_242 : memref<10000xi32, #tpu.memory_space<hbm>>) target(%arg7 : memref<10000xi32, #tpu.memory_space<vmem>>) target_semaphore(%run_scoped3A_240 : memref<!tpu.dma_semaphore, #tpu.memory_space<semaphore_mem>>)
      %dma_wait3A_243 = tpu.memref_slice %arg2[%mul3A_5] : memref<320000xi32, #tpu.memory_space<hbm>> -> memref<10000xi32, #tpu.memory_space<hbm>>
      %dma_wait3A_244 = tpu.memref_slice %arg2[%mul3A_5] : memref<320000xi32, #tpu.memory_space<hbm>> -> memref<10000xi32, #tpu.memory_space<hbm>>
      tpu.wait_dma2 semaphore(%run_scoped3A_240 : memref<!tpu.dma_semaphore, #tpu.memory_space<semaphore_mem>>) src(%dma_wait3A_244 : memref<10000xi32, #tpu.memory_space<hbm>>) dst(%arg7 : memref<10000xi32, #tpu.memory_space<vmem>>)
      tpu.yield
    }) : () -> ()
    %scan3A = arith.constant 0 : i32
    %scan3A_6 = arith.constant 128 : i32
    %scan3A_7 = arith.addi %scan3A, %scan3A_6 : i32
    %scan3A_8 = arith.constant 1 : i32
    scf.for %scan3A_240 = %scan3A to %scan3A_7 step %scan3A_8  : i32 {
      %mul3A_241 = arith.constant 1 : i32
      %mul3A_242 = arith.muli %scan3A_240, %mul3A_241 : i32
      %add3A_243 = arith.constant 0 : i32
      %add3A_244 = arith.addi %add3A_243, %mul3A_242 : i32
      %scan3A_245 = arith.constant 0 : i32
      %scan3A_246 = arith.constant 8 : i32
      %scan3A_247 = arith.addi %scan3A_245, %scan3A_246 : i32
      %scan3A_248 = arith.constant 1 : i32
      scf.for %scan3A_250 = %scan3A_245 to %scan3A_247 step %scan3A_248  : i32 {
        %mul3A_251 = arith.constant 1 : i32
        %mul3A_252 = arith.muli %scan3A_250, %mul3A_251 : i32
        %add3A_253 = arith.constant 0 : i32
        %add3A_254 = arith.addi %add3A_253, %mul3A_252 : i32
        %mul3A_255 = arith.constant 16 : i32
        %mul3A_256 = arith.muli %add3A_254, %mul3A_255 : i32
        %swap3A = arith.constant 0 : i32
        %swap3A_257 = arith.index_cast %swap3A : i32 to index
        %swap3A_258 = arith.index_cast %add3A_244 : i32 to index
        %swap3A_259 = arith.index_cast %mul3A_256 : i32 to index
        %swap3A_260 = tpu.vector_load %arg10[%swap3A_257, %swap3A_258, %swap3A_259] {strides = array<i32>} : memref<2x128x128xf32, #tpu.memory_space<vmem>>, vector<1x1x16xf32>,
        %swap3A_261 = vector.shape_cast %swap3A_260 : vector<1x1x16xf32> to vector<16xf32>
        %swap3A_262 = vector.shape_cast %broadcast_in_dim3A_1 : vector<16xf32> to vector<1x1x16xf32>
        tpu.vector_store %arg10[%swap3A_257, %swap3A_258, %swap3A_259], %swap3A_262 {strides = array<i32>} : memref<2x128x128xf32, #tpu.memory_space<vmem>>, vector<1x1x16xf32>,
      }
      %scan3A_249 = arith.constant 8 : i32
    }
    %scan3A_9 = arith.constant 128 : i32
    %scan3A_10 = arith.constant 0 : i32
    %scan3A_11 = arith.constant 8 : i32
    %scan3A_12 = arith.addi %scan3A_10, %scan3A_11 : i32
    %scan3A_13 = arith.constant 1 : i32
    scf.for %scan3A_240 = %scan3A_10 to %scan3A_12 step %scan3A_13  : i32 {
      %mul3A_241 = arith.constant 1 : i32
      %mul3A_242 = arith.muli %scan3A_240, %mul3A_241 : i32
      %add3A_243 = arith.constant 0 : i32
      %add3A_244 = arith.addi %add3A_243, %mul3A_242 : i32
      %mul3A_245 = arith.constant 16 : i32
      %mul3A_246 = arith.muli %add3A_244, %mul3A_245 : i32
      %add3A_247 = arith.addi %mul3A_246, %arg1 : i32
      %lt3A = arith.constant 125 : i32
      %lt3A_248 = arith.cmpi slt, %add3A_247, %lt3A : i32
      %convert_element_type3A = arith.extui %lt3A_248 : i1 to i32
      %cond3A = arith.constant 0 : i32
      %cond3A_249 = arith.cmpi ne, %convert_element_type3A, %cond3A : i32
      scf.if %cond3A_249 {
        %mul3A_250 = arith.constant 80 : i32
        %mul3A_251 = arith.muli %add3A_247, %mul3A_250 : i32
        %dma_start3A_252 = arith.constant 0 : i32
        %dma_start3A_253 = arith.constant 0 : i32
        %dma_start3A_254 = arith.constant 0 : i32
        %dma_start3A_255 = tpu.memref_slice %arg10[%dma_start3A_252, %dma_start3A_253, %dma_start3A_254] : memref<2x128x128xf32, #tpu.memory_space<vmem>> -> memref<1x80x128xf32, #tpu.memory_space<vmem>>
        %dma_start3A_256 = tpu.memref_squeeze %dma_start3A_255 : memref<1x80x128xf32, #tpu.memory_space<vmem>> -> memref<80x128xf32, #tpu.memory_space<vmem>>
        %dma_start3A_257 = arith.constant 0 : i32
        %dma_start3A_258 = tpu.memref_slice %arg14[%mul3A_251, %dma_start3A_257] : memref<10000x128xf32, #tpu.memory_space<vmem_shared>> -> memref<80x128xf32, #tpu.memory_space<vmem_shared>>
        %dma_start3A_259 = arith.constant 0 : i32
        %dma_start3A_260 = tpu.memref_slice %arg14[%mul3A_251, %dma_start3A_259] : memref<10000x128xf32, #tpu.memory_space<vmem_shared>> -> memref<80x128xf32, #tpu.memory_space<vmem_shared>>
        %dma_start3A_261 = arith.constant 0 : i32
        %dma_start3A_262 = arith.constant 0 : i32
        %dma_start3A_263 = tpu.memref_slice %arg10[%dma_start3A_252, %dma_start3A_261, %dma_start3A_262] : memref<2x128x128xf32, #tpu.memory_space<vmem>> -> memref<1x80x128xf32, #tpu.memory_space<vmem>>
        %dma_start3A_264 = tpu.memref_squeeze %dma_start3A_263 : memref<1x80x128xf32, #tpu.memory_space<vmem>> -> memref<80x128xf32, #tpu.memory_space<vmem>>
        tpu.enqueue_dma source(%dma_start3A_264 : memref<80x128xf32, #tpu.memory_space<vmem>>) target(%dma_start3A_260 : memref<80x128xf32, #tpu.memory_space<vmem_shared>>) target_semaphore(%arg13 : memref<!tpu.dma_semaphore, #tpu.memory_space<semaphore_mem>>)
      } else {
      }
    }
    %scan3A_14 = arith.constant 8 : i32
    %scan3A_15 = arith.constant 0 : i32
    %scan3A_16 = arith.constant 8 : i32
    %scan3A_17 = arith.addi %scan3A_15, %scan3A_16 : i32
    %scan3A_18 = arith.constant 1 : i32
    scf.for %scan3A_240 = %scan3A_15 to %scan3A_17 step %scan3A_18  : i32 {
      %mul3A_241 = arith.constant 1 : i32
      %mul3A_242 = arith.muli %scan3A_240, %mul3A_241 : i32
      %add3A_243 = arith.constant 0 : i32
      %add3A_244 = arith.addi %add3A_243, %mul3A_242 : i32
      %mul3A_245 = arith.constant 16 : i32
      %mul3A_246 = arith.muli %add3A_244, %mul3A_245 : i32
      %add3A_247 = arith.addi %mul3A_246, %arg1 : i32
      %lt3A = arith.constant 125 : i32
      %lt3A_248 = arith.cmpi slt, %add3A_247, %lt3A : i32
      %convert_element_type3A = arith.extui %lt3A_248 : i1 to i32
      %cond3A = arith.constant 0 : i32
      %cond3A_249 = arith.cmpi ne, %convert_element_type3A, %cond3A : i32
      scf.if %cond3A_249 {
        %dma_wait3A_250 = arith.constant 0 : i32
        %dma_wait3A_251 = arith.constant 0 : i32
        %dma_wait3A_252 = arith.constant 0 : i32
        %dma_wait3A_253 = tpu.memref_slice %arg10[%dma_wait3A_250, %dma_wait3A_251, %dma_wait3A_252] : memref<2x128x128xf32, #tpu.memory_space<vmem>> -> memref<1x80x128xf32, #tpu.memory_space<vmem>>
        %dma_wait3A_254 = tpu.memref_squeeze %dma_wait3A_253 : memref<1x80x128xf32, #tpu.memory_space<vmem>> -> memref<80x128xf32, #tpu.memory_space<vmem>>
        %dma_wait3A_255 = arith.constant 0 : i32
        %dma_wait3A_256 = arith.constant 0 : i32
        %dma_wait3A_257 = tpu.memref_slice %arg14[%dma_wait3A_255, %dma_wait3A_256] : memref<10000x128xf32, #tpu.memory_space<vmem_shared>> -> memref<80x128xf32, #tpu.memory_space<vmem_shared>>
        %dma_wait3A_258 = arith.constant 0 : i32
        %dma_wait3A_259 = arith.constant 0 : i32
        %dma_wait3A_260 = tpu.memref_slice %arg14[%dma_wait3A_258, %dma_wait3A_259] : memref<10000x128xf32, #tpu.memory_space<vmem_shared>> -> memref<80x128xf32, #tpu.memory_space<vmem_shared>>
        %dma_wait3A_261 = arith.constant 0 : i32
        %dma_wait3A_262 = arith.constant 0 : i32
        %dma_wait3A_263 = tpu.memref_slice %arg10[%dma_wait3A_250, %dma_wait3A_261, %dma_wait3A_262] : memref<2x128x128xf32, #tpu.memory_space<vmem>> -> memref<1x80x128xf32, #tpu.memory_space<vmem>>
        %dma_wait3A_264 = tpu.memref_squeeze %dma_wait3A_263 : memref<1x80x128xf32, #tpu.memory_space<vmem>> -> memref<80x128xf32, #tpu.memory_space<vmem>>
        tpu.wait_dma2 semaphore(%arg13 : memref<!tpu.dma_semaphore, #tpu.memory_space<semaphore_mem>>) src(%dma_wait3A_264 : memref<80x128xf32, #tpu.memory_space<vmem>>) dst(%dma_wait3A_260 : memref<80x128xf32, #tpu.memory_space<vmem_shared>>)
      } else {
      }
    }
    %scan3A_19 = arith.constant 8 : i32
    %barrier3A = arith.constant 0 : index
    tpu.barrier barrier_id(%barrier3A)
    %dma_start3A = arith.constant 0 : i32
    %dma_start3A_20 = arith.constant 0 : i32
    %dma_start3A_21 = arith.constant 0 : i32
    %dma_start3A_22 = arith.constant 0 : i32
    %dma_start3A_23 = tpu.memref_slice %arg10[%dma_start3A, %dma_start3A_21, %dma_start3A_22] : memref<2x128x128xf32, #tpu.memory_space<vmem>> -> memref<1x128x128xf32, #tpu.memory_space<vmem>>
    %dma_start3A_24 = tpu.memref_squeeze %dma_start3A_23 : memref<1x128x128xf32, #tpu.memory_space<vmem>> -> memref<128x128xf32, #tpu.memory_space<vmem>>
    %dma_start3A_25 = arith.constant 0 : i32
    %dma_start3A_26 = tpu.memref_slice %arg7[%dma_start3A_25] : memref<10000xi32, #tpu.memory_space<vmem>> -> memref<128xi32, #tpu.memory_space<vmem>>
    %dma_start3A_27 = arith.constant 0 : i32
    %dma_start3A_28 = arith.constant 0 : i32
    %dma_start3A_29 = tpu.memref_slice %arg4[%dma_start3A_27, %dma_start3A_28] : memref<10000x128xf32, #tpu.memory_space<hbm>> -> memref<10000x128xf32, #tpu.memory_space<hbm>>
    %dma_start3A_30 = tpu.memref_slice %arg11[%dma_start3A_20] : memref<2x!tpu.dma_semaphore, #tpu.memory_space<semaphore_mem>> -> memref<1x!tpu.dma_semaphore, #tpu.memory_space<semaphore_mem>>
    %dma_start3A_31 = tpu.memref_squeeze %dma_start3A_30 : memref<1x!tpu.dma_semaphore, #tpu.memory_space<semaphore_mem>> -> memref<!tpu.dma_semaphore, #tpu.memory_space<semaphore_mem>>
    tpu.enqueue_indirect_dma source(%dma_start3A_29 : memref<10000x128xf32, #tpu.memory_space<hbm>>) target(%dma_start3A_24 : memref<128x128xf32, #tpu.memory_space<vmem>>) offsets(%dma_start3A_26 : memref<128xi32, #tpu.memory_space<vmem>>) semaphore(%dma_start3A_31 : memref<!tpu.dma_semaphore, #tpu.memory_space<semaphore_mem>>)
    %mul3A_32 = arith.constant 10000 : i32
    %mul3A_33 = arith.muli %add3A, %mul3A_32 : i32
    %add3A_34 = arith.constant 0 : i32
    %add3A_35 = arith.addi %mul3A_33, %add3A_34 : i32
    %dma_start3A_36 = arith.constant 0 : i32
    %dma_start3A_37 = arith.constant 0 : i32
    %dma_start3A_38 = arith.constant 0 : i32
    %dma_start3A_39 = tpu.memref_slice %arg8[%dma_start3A_36, %dma_start3A_38] : memref<2x128xi32, #tpu.memory_space<vmem>> -> memref<1x128xi32, #tpu.memory_space<vmem>>
    %dma_start3A_40 = tpu.memref_squeeze %dma_start3A_39 : memref<1x128xi32, #tpu.memory_space<vmem>> -> memref<128xi32, #tpu.memory_space<vmem>>
    %dma_start3A_41 = tpu.memref_slice %arg3[%add3A_35] : memref<320000xi32, #tpu.memory_space<hbm>> -> memref<128xi32, #tpu.memory_space<hbm>>
    %dma_start3A_42 = tpu.memref_slice %arg12[%dma_start3A_37] : memref<2x!tpu.dma_semaphore, #tpu.memory_space<semaphore_mem>> -> memref<1x!tpu.dma_semaphore, #tpu.memory_space<semaphore_mem>>
    %dma_start3A_43 = tpu.memref_squeeze %dma_start3A_42 : memref<1x!tpu.dma_semaphore, #tpu.memory_space<semaphore_mem>> -> memref<!tpu.dma_semaphore, #tpu.memory_space<semaphore_mem>>
    %dma_start3A_44 = arith.constant 0 : i32
    %dma_start3A_45 = tpu.memref_slice %arg8[%dma_start3A_36, %dma_start3A_44] : memref<2x128xi32, #tpu.memory_space<vmem>> -> memref<1x128xi32, #tpu.memory_space<vmem>>
    %dma_start3A_46 = tpu.memref_squeeze %dma_start3A_45 : memref<1x128xi32, #tpu.memory_space<vmem>> -> memref<128xi32, #tpu.memory_space<vmem>>
    %dma_start3A_47 = tpu.memref_slice %arg3[%add3A_35] : memref<320000xi32, #tpu.memory_space<hbm>> -> memref<128xi32, #tpu.memory_space<hbm>>
    tpu.enqueue_dma source(%dma_start3A_47 : memref<128xi32, #tpu.memory_space<hbm>>) target(%dma_start3A_46 : memref<128xi32, #tpu.memory_space<vmem>>) target_semaphore(%dma_start3A_43 : memref<!tpu.dma_semaphore, #tpu.memory_space<semaphore_mem>>)
    %dma_start3A_48 = arith.constant 1 : i32
    %dma_start3A_49 = arith.constant 1 : i32
    %dma_start3A_50 = arith.constant 0 : i32
    %dma_start3A_51 = arith.constant 0 : i32
    %dma_start3A_52 = tpu.memref_slice %arg10[%dma_start3A_48, %dma_start3A_50, %dma_start3A_51] : memref<2x128x128xf32, #tpu.memory_space<vmem>> -> memref<1x128x128xf32, #tpu.memory_space<vmem>>
    %dma_start3A_53 = tpu.memref_squeeze %dma_start3A_52 : memref<1x128x128xf32, #tpu.memory_space<vmem>> -> memref<128x128xf32, #tpu.memory_space<vmem>>
    %dma_start3A_54 = arith.constant 128 : i32
    %dma_start3A_55 = tpu.memref_slice %arg7[%dma_start3A_54] : memref<10000xi32, #tpu.memory_space<vmem>> -> memref<128xi32, #tpu.memory_space<vmem>>
    %dma_start3A_56 = arith.constant 0 : i32
    %dma_start3A_57 = arith.constant 0 : i32
    %dma_start3A_58 = tpu.memref_slice %arg4[%dma_start3A_56, %dma_start3A_57] : memref<10000x128xf32, #tpu.memory_space<hbm>> -> memref<10000x128xf32, #tpu.memory_space<hbm>>
    %dma_start3A_59 = tpu.memref_slice %arg11[%dma_start3A_49] : memref<2x!tpu.dma_semaphore, #tpu.memory_space<semaphore_mem>> -> memref<1x!tpu.dma_semaphore, #tpu.memory_space<semaphore_mem>>
    %dma_start3A_60 = tpu.memref_squeeze %dma_start3A_59 : memref<1x!tpu.dma_semaphore, #tpu.memory_space<semaphore_mem>> -> memref<!tpu.dma_semaphore, #tpu.memory_space<semaphore_mem>>
    tpu.enqueue_indirect_dma source(%dma_start3A_58 : memref<10000x128xf32, #tpu.memory_space<hbm>>) target(%dma_start3A_53 : memref<128x128xf32, #tpu.memory_space<vmem>>) offsets(%dma_start3A_55 : memref<128xi32, #tpu.memory_space<vmem>>) semaphore(%dma_start3A_60 : memref<!tpu.dma_semaphore, #tpu.memory_space<semaphore_mem>>)
    %mul3A_61 = arith.constant 10000 : i32
    %mul3A_62 = arith.muli %add3A, %mul3A_61 : i32
    %add3A_63 = arith.constant 128 : i32
    %add3A_64 = arith.addi %mul3A_62, %add3A_63 : i32
    %dma_start3A_65 = arith.constant 1 : i32
    %dma_start3A_66 = arith.constant 1 : i32
    %dma_start3A_67 = arith.constant 0 : i32
    %dma_start3A_68 = tpu.memref_slice %arg8[%dma_start3A_65, %dma_start3A_67] : memref<2x128xi32, #tpu.memory_space<vmem>> -> memref<1x128xi32, #tpu.memory_space<vmem>>
    %dma_start3A_69 = tpu.memref_squeeze %dma_start3A_68 : memref<1x128xi32, #tpu.memory_space<vmem>> -> memref<128xi32, #tpu.memory_space<vmem>>
    %dma_start3A_70 = tpu.memref_slice %arg3[%add3A_64] : memref<320000xi32, #tpu.memory_space<hbm>> -> memref<128xi32, #tpu.memory_space<hbm>>
    %dma_start3A_71 = tpu.memref_slice %arg12[%dma_start3A_66] : memref<2x!tpu.dma_semaphore, #tpu.memory_space<semaphore_mem>> -> memref<1x!tpu.dma_semaphore, #tpu.memory_space<semaphore_mem>>
    %dma_start3A_72 = tpu.memref_squeeze %dma_start3A_71 : memref<1x!tpu.dma_semaphore, #tpu.memory_space<semaphore_mem>> -> memref<!tpu.dma_semaphore, #tpu.memory_space<semaphore_mem>>
    %dma_start3A_73 = arith.constant 0 : i32
    %dma_start3A_74 = tpu.memref_slice %arg8[%dma_start3A_65, %dma_start3A_73] : memref<2x128xi32, #tpu.memory_space<vmem>> -> memref<1x128xi32, #tpu.memory_space<vmem>>
    %dma_start3A_75 = tpu.memref_squeeze %dma_start3A_74 : memref<1x128xi32, #tpu.memory_space<vmem>> -> memref<128xi32, #tpu.memory_space<vmem>>
    %dma_start3A_76 = tpu.memref_slice %arg3[%add3A_64] : memref<320000xi32, #tpu.memory_space<hbm>> -> memref<128xi32, #tpu.memory_space<hbm>>
    tpu.enqueue_dma source(%dma_start3A_76 : memref<128xi32, #tpu.memory_space<hbm>>) target(%dma_start3A_75 : memref<128xi32, #tpu.memory_space<vmem>>) target_semaphore(%dma_start3A_72 : memref<!tpu.dma_semaphore, #tpu.memory_space<semaphore_mem>>)
    %scan3A_77 = arith.constant 0 : i32
    %scan3A_78 = arith.constant 39 : i32
    %scan3A_79 = arith.addi %scan3A_77, %scan3A_78 : i32
    %scan3A_80 = arith.constant 1 : i32
    scf.for %scan3A_240 = %scan3A_77 to %scan3A_79 step %scan3A_80  : i32 {
      %mul3A_241 = arith.constant 1 : i32
      %mul3A_242 = arith.muli %scan3A_240, %mul3A_241 : i32
      %add3A_243 = arith.constant 0 : i32
      %add3A_244 = arith.addi %add3A_243, %mul3A_242 : i32
      %mul3A_245 = arith.constant 2 : i32
      %mul3A_246 = arith.muli %add3A_244, %mul3A_245 : i32
      %dma_wait3A_247 = arith.constant 0 : i32
      %dma_wait3A_248 = arith.constant 0 : i32
      %dma_wait3A_249 = arith.constant 0 : i32
      %dma_wait3A_250 = arith.constant 0 : i32
      %dma_wait3A_251 = tpu.memref_slice %arg10[%dma_wait3A_247, %dma_wait3A_249, %dma_wait3A_250] : memref<2x128x128xf32, #tpu.memory_space<vmem>> -> memref<1x128x128xf32, #tpu.memory_space<vmem>>
      %dma_wait3A_252 = tpu.memref_squeeze %dma_wait3A_251 : memref<1x128x128xf32, #tpu.memory_space<vmem>> -> memref<128x128xf32, #tpu.memory_space<vmem>>
      %dma_wait3A_253 = arith.constant 0 : i32
      %dma_wait3A_254 = arith.constant 0 : i32
      %dma_wait3A_255 = tpu.memref_slice %arg4[%dma_wait3A_253, %dma_wait3A_254] : memref<10000x128xf32, #tpu.memory_space<hbm>> -> memref<128x128xf32, #tpu.memory_space<hbm>>
      %dma_wait3A_256 = tpu.memref_slice %arg11[%dma_wait3A_248] : memref<2x!tpu.dma_semaphore, #tpu.memory_space<semaphore_mem>> -> memref<1x!tpu.dma_semaphore, #tpu.memory_space<semaphore_mem>>
      %dma_wait3A_257 = tpu.memref_squeeze %dma_wait3A_256 : memref<1x!tpu.dma_semaphore, #tpu.memory_space<semaphore_mem>> -> memref<!tpu.dma_semaphore, #tpu.memory_space<semaphore_mem>>
      %dma_wait3A_258 = arith.constant 0 : i32
      %dma_wait3A_259 = arith.constant 0 : i32
      %dma_wait3A_260 = tpu.memref_slice %arg10[%dma_wait3A_247, %dma_wait3A_258, %dma_wait3A_259] : memref<2x128x128xf32, #tpu.memory_space<vmem>> -> memref<1x128x128xf32, #tpu.memory_space<vmem>>
      %dma_wait3A_261 = tpu.memref_squeeze %dma_wait3A_260 : memref<1x128x128xf32, #tpu.memory_space<vmem>> -> memref<128x128xf32, #tpu.memory_space<vmem>>
      %dma_wait3A_262 = arith.constant 0 : i32
      %dma_wait3A_263 = arith.constant 0 : i32
      %dma_wait3A_264 = tpu.memref_slice %arg4[%dma_wait3A_262, %dma_wait3A_263] : memref<10000x128xf32, #tpu.memory_space<hbm>> -> memref<128x128xf32, #tpu.memory_space<hbm>>
      tpu.wait_dma2 semaphore(%dma_wait3A_257 : memref<!tpu.dma_semaphore, #tpu.memory_space<semaphore_mem>>) src(%dma_wait3A_264 : memref<128x128xf32, #tpu.memory_space<hbm>>) dst(%dma_wait3A_261 : memref<128x128xf32, #tpu.memory_space<vmem>>)
      %dma_wait3A_265 = arith.constant 0 : i32
      %dma_wait3A_266 = arith.constant 0 : i32
      %dma_wait3A_267 = arith.constant 0 : i32
      %dma_wait3A_268 = tpu.memref_slice %arg8[%dma_wait3A_265, %dma_wait3A_267] : memref<2x128xi32, #tpu.memory_space<vmem>> -> memref<1x128xi32, #tpu.memory_space<vmem>>
      %dma_wait3A_269 = tpu.memref_squeeze %dma_wait3A_268 : memref<1x128xi32, #tpu.memory_space<vmem>> -> memref<128xi32, #tpu.memory_space<vmem>>
      %dma_wait3A_270 = arith.constant 0 : i32
      %dma_wait3A_271 = tpu.memref_slice %arg3[%dma_wait3A_270] : memref<320000xi32, #tpu.memory_space<hbm>> -> memref<128xi32, #tpu.memory_space<hbm>>
      %dma_wait3A_272 = tpu.memref_slice %arg12[%dma_wait3A_266] : memref<2x!tpu.dma_semaphore, #tpu.memory_space<semaphore_mem>> -> memref<1x!tpu.dma_semaphore, #tpu.memory_space<semaphore_mem>>
      %dma_wait3A_273 = tpu.memref_squeeze %dma_wait3A_272 : memref<1x!tpu.dma_semaphore, #tpu.memory_space<semaphore_mem>> -> memref<!tpu.dma_semaphore, #tpu.memory_space<semaphore_mem>>
      %dma_wait3A_274 = arith.constant 0 : i32
      %dma_wait3A_275 = tpu.memref_slice %arg8[%dma_wait3A_265, %dma_wait3A_274] : memref<2x128xi32, #tpu.memory_space<vmem>> -> memref<1x128xi32, #tpu.memory_space<vmem>>
      %dma_wait3A_276 = tpu.memref_squeeze %dma_wait3A_275 : memref<1x128xi32, #tpu.memory_space<vmem>> -> memref<128xi32, #tpu.memory_space<vmem>>
      %dma_wait3A_277 = arith.constant 0 : i32
      %dma_wait3A_278 = tpu.memref_slice %arg3[%dma_wait3A_277] : memref<320000xi32, #tpu.memory_space<hbm>> -> memref<128xi32, #tpu.memory_space<hbm>>
      tpu.wait_dma2 semaphore(%dma_wait3A_273 : memref<!tpu.dma_semaphore, #tpu.memory_space<semaphore_mem>>) src(%dma_wait3A_278 : memref<128xi32, #tpu.memory_space<hbm>>) dst(%dma_wait3A_276 : memref<128xi32, #tpu.memory_space<vmem>>)
      %run_scoped3A_279 = arith.constant 0 : i32
      %run_scoped3A_280 = arith.constant 0 : i32
      "tpu.region"() ({
        %run_scoped3A_330 = tpu.sem_alloc : memref<!tpu.dma_semaphore, #tpu.memory_space<semaphore_mem>>
        %dma_start3A_331 = arith.constant 0 : i32
        %dma_start3A_332 = arith.constant 0 : i32
        %dma_start3A_333 = tpu.memref_slice %arg10[%run_scoped3A_279, %dma_start3A_331, %dma_start3A_332] : memref<2x128x128xf32, #tpu.memory_space<vmem>> -> memref<1x128x128xf32, #tpu.memory_space<vmem>>
        %dma_start3A_334 = tpu.memref_squeeze %dma_start3A_333 : memref<1x128x128xf32, #tpu.memory_space<vmem>> -> memref<128x128xf32, #tpu.memory_space<vmem>>
        %dma_start3A_335 = arith.constant 0 : i32
        %dma_start3A_336 = tpu.memref_slice %arg8[%run_scoped3A_280, %dma_start3A_335] : memref<2x128xi32, #tpu.memory_space<vmem>> -> memref<1x128xi32, #tpu.memory_space<vmem>>
        %dma_start3A_337 = tpu.memref_squeeze %dma_start3A_336 : memref<1x128xi32, #tpu.memory_space<vmem>> -> memref<128xi32, #tpu.memory_space<vmem>>
        %dma_start3A_338 = arith.constant 0 : i32
        %dma_start3A_339 = arith.constant 0 : i32
        %dma_start3A_340 = tpu.memref_slice %arg14[%dma_start3A_338, %dma_start3A_339] : memref<10000x128xf32, #tpu.memory_space<vmem_shared>> -> memref<10000x128xf32, #tpu.memory_space<vmem_shared>>
        tpu.enqueue_indirect_dma source(%dma_start3A_334 : memref<128x128xf32, #tpu.memory_space<vmem>>) target(%dma_start3A_340 : memref<10000x128xf32, #tpu.memory_space<vmem_shared>>) offsets(%dma_start3A_337 : memref<128xi32, #tpu.memory_space<vmem>>) semaphore(%run_scoped3A_330 : memref<!tpu.dma_semaphore, #tpu.memory_space<semaphore_mem>>) {add = true}
        %dma_wait3A_341 = arith.constant 0 : i32
        %dma_wait3A_342 = arith.constant 0 : i32
        %dma_wait3A_343 = tpu.memref_slice %arg10[%run_scoped3A_279, %dma_wait3A_341, %dma_wait3A_342] : memref<2x128x128xf32, #tpu.memory_space<vmem>> -> memref<1x128x128xf32, #tpu.memory_space<vmem>>
        %dma_wait3A_344 = tpu.memref_squeeze %dma_wait3A_343 : memref<1x128x128xf32, #tpu.memory_space<vmem>> -> memref<128x128xf32, #tpu.memory_space<vmem>>
        %dma_wait3A_345 = arith.constant 0 : i32
        %dma_wait3A_346 = tpu.memref_slice %arg8[%run_scoped3A_280, %dma_wait3A_345] : memref<2x128xi32, #tpu.memory_space<vmem>> -> memref<1x128xi32, #tpu.memory_space<vmem>>
        %dma_wait3A_347 = tpu.memref_squeeze %dma_wait3A_346 : memref<1x128xi32, #tpu.memory_space<vmem>> -> memref<128xi32, #tpu.memory_space<vmem>>
        %dma_wait3A_348 = arith.constant 0 : i32
        %dma_wait3A_349 = arith.constant 0 : i32
        %dma_wait3A_350 = tpu.memref_slice %arg14[%dma_wait3A_348, %dma_wait3A_349] : memref<10000x128xf32, #tpu.memory_space<vmem_shared>> -> memref<10000x128xf32, #tpu.memory_space<vmem_shared>>
        tpu.wait_indirect_dma semaphore(%run_scoped3A_330 : memref<!tpu.dma_semaphore, #tpu.memory_space<semaphore_mem>>) src(%dma_wait3A_344 : memref<128x128xf32, #tpu.memory_space<vmem>>) dst(%dma_wait3A_350 : memref<10000x128xf32, #tpu.memory_space<vmem_shared>>)
        tpu.yield
      }) : () -> ()
      %add3A_281 = arith.constant 0 : i32
      %add3A_282 = arith.addi %mul3A_246, %add3A_281 : i32
      %add3A_283 = arith.constant 2 : i32
      %add3A_284 = arith.addi %add3A_282, %add3A_283 : i32
      %lt3A = arith.constant 78 : i32
      %lt3A_285 = arith.cmpi slt, %add3A_284, %lt3A : i32
      %convert_element_type3A = arith.extui %lt3A_285 : i1 to i32
      %cond3A = arith.constant 0 : i32
      %cond3A_286 = arith.cmpi ne, %convert_element_type3A, %cond3A : i32
      scf.if %cond3A_286 {
        %add3A_330 = arith.constant 0 : i32
        %add3A_331 = arith.addi %mul3A_246, %add3A_330 : i32
        %add3A_332 = arith.constant 2 : i32
        %add3A_333 = arith.addi %add3A_331, %add3A_332 : i32
        %mul3A_334 = arith.constant 128 : i32
        %mul3A_335 = arith.muli %add3A_333, %mul3A_334 : i32
        %dma_start3A_336 = arith.constant 0 : i32
        %dma_start3A_337 = arith.constant 0 : i32
        %dma_start3A_338 = arith.constant 0 : i32
        %dma_start3A_339 = arith.constant 0 : i32
        %dma_start3A_340 = tpu.memref_slice %arg10[%dma_start3A_336, %dma_start3A_338, %dma_start3A_339] : memref<2x128x128xf32, #tpu.memory_space<vmem>> -> memref<1x128x128xf32, #tpu.memory_space<vmem>>
        %dma_start3A_341 = tpu.memref_squeeze %dma_start3A_340 : memref<1x128x128xf32, #tpu.memory_space<vmem>> -> memref<128x128xf32, #tpu.memory_space<vmem>>
        %dma_start3A_342 = tpu.memref_slice %arg7[%mul3A_335] : memref<10000xi32, #tpu.memory_space<vmem>> -> memref<128xi32, #tpu.memory_space<vmem>>
        %dma_start3A_343 = arith.constant 0 : i32
        %dma_start3A_344 = arith.constant 0 : i32
        %dma_start3A_345 = tpu.memref_slice %arg4[%dma_start3A_343, %dma_start3A_344] : memref<10000x128xf32, #tpu.memory_space<hbm>> -> memref<10000x128xf32, #tpu.memory_space<hbm>>
        %dma_start3A_346 = tpu.memref_slice %arg11[%dma_start3A_337] : memref<2x!tpu.dma_semaphore, #tpu.memory_space<semaphore_mem>> -> memref<1x!tpu.dma_semaphore, #tpu.memory_space<semaphore_mem>>
        %dma_start3A_347 = tpu.memref_squeeze %dma_start3A_346 : memref<1x!tpu.dma_semaphore, #tpu.memory_space<semaphore_mem>> -> memref<!tpu.dma_semaphore, #tpu.memory_space<semaphore_mem>>
        tpu.enqueue_indirect_dma source(%dma_start3A_345 : memref<10000x128xf32, #tpu.memory_space<hbm>>) target(%dma_start3A_341 : memref<128x128xf32, #tpu.memory_space<vmem>>) offsets(%dma_start3A_342 : memref<128xi32, #tpu.memory_space<vmem>>) semaphore(%dma_start3A_347 : memref<!tpu.dma_semaphore, #tpu.memory_space<semaphore_mem>>)
        %add3A_348 = arith.constant 0 : i32
        %add3A_349 = arith.addi %mul3A_246, %add3A_348 : i32
        %add3A_350 = arith.constant 2 : i32
        %add3A_351 = arith.addi %add3A_349, %add3A_350 : i32
        %mul3A_352 = arith.constant 10000 : i32
        %mul3A_353 = arith.muli %add3A, %mul3A_352 : i32
        %mul3A_354 = arith.constant 128 : i32
        %mul3A_355 = arith.muli %add3A_351, %mul3A_354 : i32
        %add3A_356 = arith.addi %mul3A_353, %mul3A_355 : i32
        %dma_start3A_357 = arith.constant 0 : i32
        %dma_start3A_358 = arith.constant 0 : i32
        %dma_start3A_359 = arith.constant 0 : i32
        %dma_start3A_360 = tpu.memref_slice %arg8[%dma_start3A_357, %dma_start3A_359] : memref<2x128xi32, #tpu.memory_space<vmem>> -> memref<1x128xi32, #tpu.memory_space<vmem>>
        %dma_start3A_361 = tpu.memref_squeeze %dma_start3A_360 : memref<1x128xi32, #tpu.memory_space<vmem>> -> memref<128xi32, #tpu.memory_space<vmem>>
        %dma_start3A_362 = tpu.memref_slice %arg3[%add3A_356] : memref<320000xi32, #tpu.memory_space<hbm>> -> memref<128xi32, #tpu.memory_space<hbm>>
        %dma_start3A_363 = tpu.memref_slice %arg12[%dma_start3A_358] : memref<2x!tpu.dma_semaphore, #tpu.memory_space<semaphore_mem>> -> memref<1x!tpu.dma_semaphore, #tpu.memory_space<semaphore_mem>>
        %dma_start3A_364 = tpu.memref_squeeze %dma_start3A_363 : memref<1x!tpu.dma_semaphore, #tpu.memory_space<semaphore_mem>> -> memref<!tpu.dma_semaphore, #tpu.memory_space<semaphore_mem>>
        %dma_start3A_365 = arith.constant 0 : i32
        %dma_start3A_366 = tpu.memref_slice %arg8[%dma_start3A_357, %dma_start3A_365] : memref<2x128xi32, #tpu.memory_space<vmem>> -> memref<1x128xi32, #tpu.memory_space<vmem>>
        %dma_start3A_367 = tpu.memref_squeeze %dma_start3A_366 : memref<1x128xi32, #tpu.memory_space<vmem>> -> memref<128xi32, #tpu.memory_space<vmem>>
        %dma_start3A_368 = tpu.memref_slice %arg3[%add3A_356] : memref<320000xi32, #tpu.memory_space<hbm>> -> memref<128xi32, #tpu.memory_space<hbm>>
        tpu.enqueue_dma source(%dma_start3A_368 : memref<128xi32, #tpu.memory_space<hbm>>) target(%dma_start3A_367 : memref<128xi32, #tpu.memory_space<vmem>>) target_semaphore(%dma_start3A_364 : memref<!tpu.dma_semaphore, #tpu.memory_space<semaphore_mem>>)
      } else {
      }
      %dma_wait3A_287 = arith.constant 1 : i32
      %dma_wait3A_288 = arith.constant 1 : i32
      %dma_wait3A_289 = arith.constant 0 : i32
      %dma_wait3A_290 = arith.constant 0 : i32
      %dma_wait3A_291 = tpu.memref_slice %arg10[%dma_wait3A_287, %dma_wait3A_289, %dma_wait3A_290] : memref<2x128x128xf32, #tpu.memory_space<vmem>> -> memref<1x128x128xf32, #tpu.memory_space<vmem>>
      %dma_wait3A_292 = tpu.memref_squeeze %dma_wait3A_291 : memref<1x128x128xf32, #tpu.memory_space<vmem>> -> memref<128x128xf32, #tpu.memory_space<vmem>>
      %dma_wait3A_293 = arith.constant 0 : i32
      %dma_wait3A_294 = arith.constant 0 : i32
      %dma_wait3A_295 = tpu.memref_slice %arg4[%dma_wait3A_293, %dma_wait3A_294] : memref<10000x128xf32, #tpu.memory_space<hbm>> -> memref<128x128xf32, #tpu.memory_space<hbm>>
      %dma_wait3A_296 = tpu.memref_slice %arg11[%dma_wait3A_288] : memref<2x!tpu.dma_semaphore, #tpu.memory_space<semaphore_mem>> -> memref<1x!tpu.dma_semaphore, #tpu.memory_space<semaphore_mem>>
      %dma_wait3A_297 = tpu.memref_squeeze %dma_wait3A_296 : memref<1x!tpu.dma_semaphore, #tpu.memory_space<semaphore_mem>> -> memref<!tpu.dma_semaphore, #tpu.memory_space<semaphore_mem>>
      %dma_wait3A_298 = arith.constant 0 : i32
      %dma_wait3A_299 = arith.constant 0 : i32
      %dma_wait3A_300 = tpu.memref_slice %arg10[%dma_wait3A_287, %dma_wait3A_298, %dma_wait3A_299] : memref<2x128x128xf32, #tpu.memory_space<vmem>> -> memref<1x128x128xf32, #tpu.memory_space<vmem>>
      %dma_wait3A_301 = tpu.memref_squeeze %dma_wait3A_300 : memref<1x128x128xf32, #tpu.memory_space<vmem>> -> memref<128x128xf32, #tpu.memory_space<vmem>>
      %dma_wait3A_302 = arith.constant 0 : i32
      %dma_wait3A_303 = arith.constant 0 : i32
      %dma_wait3A_304 = tpu.memref_slice %arg4[%dma_wait3A_302, %dma_wait3A_303] : memref<10000x128xf32, #tpu.memory_space<hbm>> -> memref<128x128xf32, #tpu.memory_space<hbm>>
      tpu.wait_dma2 semaphore(%dma_wait3A_297 : memref<!tpu.dma_semaphore, #tpu.memory_space<semaphore_mem>>) src(%dma_wait3A_304 : memref<128x128xf32, #tpu.memory_space<hbm>>) dst(%dma_wait3A_301 : memref<128x128xf32, #tpu.memory_space<vmem>>)
      %dma_wait3A_305 = arith.constant 1 : i32
      %dma_wait3A_306 = arith.constant 1 : i32
      %dma_wait3A_307 = arith.constant 0 : i32
      %dma_wait3A_308 = tpu.memref_slice %arg8[%dma_wait3A_305, %dma_wait3A_307] : memref<2x128xi32, #tpu.memory_space<vmem>> -> memref<1x128xi32, #tpu.memory_space<vmem>>
      %dma_wait3A_309 = tpu.memref_squeeze %dma_wait3A_308 : memref<1x128xi32, #tpu.memory_space<vmem>> -> memref<128xi32, #tpu.memory_space<vmem>>
      %dma_wait3A_310 = arith.constant 0 : i32
      %dma_wait3A_311 = tpu.memref_slice %arg3[%dma_wait3A_310] : memref<320000xi32, #tpu.memory_space<hbm>> -> memref<128xi32, #tpu.memory_space<hbm>>
      %dma_wait3A_312 = tpu.memref_slice %arg12[%dma_wait3A_306] : memref<2x!tpu.dma_semaphore, #tpu.memory_space<semaphore_mem>> -> memref<1x!tpu.dma_semaphore, #tpu.memory_space<semaphore_mem>>
      %dma_wait3A_313 = tpu.memref_squeeze %dma_wait3A_312 : memref<1x!tpu.dma_semaphore, #tpu.memory_space<semaphore_mem>> -> memref<!tpu.dma_semaphore, #tpu.memory_space<semaphore_mem>>
      %dma_wait3A_314 = arith.constant 0 : i32
      %dma_wait3A_315 = tpu.memref_slice %arg8[%dma_wait3A_305, %dma_wait3A_314] : memref<2x128xi32, #tpu.memory_space<vmem>> -> memref<1x128xi32, #tpu.memory_space<vmem>>
      %dma_wait3A_316 = tpu.memref_squeeze %dma_wait3A_315 : memref<1x128xi32, #tpu.memory_space<vmem>> -> memref<128xi32, #tpu.memory_space<vmem>>
      %dma_wait3A_317 = arith.constant 0 : i32
      %dma_wait3A_318 = tpu.memref_slice %arg3[%dma_wait3A_317] : memref<320000xi32, #tpu.memory_space<hbm>> -> memref<128xi32, #tpu.memory_space<hbm>>
      tpu.wait_dma2 semaphore(%dma_wait3A_313 : memref<!tpu.dma_semaphore, #tpu.memory_space<semaphore_mem>>) src(%dma_wait3A_318 : memref<128xi32, #tpu.memory_space<hbm>>) dst(%dma_wait3A_316 : memref<128xi32, #tpu.memory_space<vmem>>)
      %run_scoped3A_319 = arith.constant 1 : i32
      %run_scoped3A_320 = arith.constant 1 : i32
      "tpu.region"() ({
        %run_scoped3A_330 = tpu.sem_alloc : memref<!tpu.dma_semaphore, #tpu.memory_space<semaphore_mem>>
        %dma_start3A_331 = arith.constant 0 : i32
        %dma_start3A_332 = arith.constant 0 : i32
        %dma_start3A_333 = tpu.memref_slice %arg10[%run_scoped3A_319, %dma_start3A_331, %dma_start3A_332] : memref<2x128x128xf32, #tpu.memory_space<vmem>> -> memref<1x128x128xf32, #tpu.memory_space<vmem>>
        %dma_start3A_334 = tpu.memref_squeeze %dma_start3A_333 : memref<1x128x128xf32, #tpu.memory_space<vmem>> -> memref<128x128xf32, #tpu.memory_space<vmem>>
        %dma_start3A_335 = arith.constant 0 : i32
        %dma_start3A_336 = tpu.memref_slice %arg8[%run_scoped3A_320, %dma_start3A_335] : memref<2x128xi32, #tpu.memory_space<vmem>> -> memref<1x128xi32, #tpu.memory_space<vmem>>
        %dma_start3A_337 = tpu.memref_squeeze %dma_start3A_336 : memref<1x128xi32, #tpu.memory_space<vmem>> -> memref<128xi32, #tpu.memory_space<vmem>>
        %dma_start3A_338 = arith.constant 0 : i32
        %dma_start3A_339 = arith.constant 0 : i32
        %dma_start3A_340 = tpu.memref_slice %arg14[%dma_start3A_338, %dma_start3A_339] : memref<10000x128xf32, #tpu.memory_space<vmem_shared>> -> memref<10000x128xf32, #tpu.memory_space<vmem_shared>>
        tpu.enqueue_indirect_dma source(%dma_start3A_334 : memref<128x128xf32, #tpu.memory_space<vmem>>) target(%dma_start3A_340 : memref<10000x128xf32, #tpu.memory_space<vmem_shared>>) offsets(%dma_start3A_337 : memref<128xi32, #tpu.memory_space<vmem>>) semaphore(%run_scoped3A_330 : memref<!tpu.dma_semaphore, #tpu.memory_space<semaphore_mem>>) {add = true}
        %dma_wait3A_341 = arith.constant 0 : i32
        %dma_wait3A_342 = arith.constant 0 : i32
        %dma_wait3A_343 = tpu.memref_slice %arg10[%run_scoped3A_319, %dma_wait3A_341, %dma_wait3A_342] : memref<2x128x128xf32, #tpu.memory_space<vmem>> -> memref<1x128x128xf32, #tpu.memory_space<vmem>>
        %dma_wait3A_344 = tpu.memref_squeeze %dma_wait3A_343 : memref<1x128x128xf32, #tpu.memory_space<vmem>> -> memref<128x128xf32, #tpu.memory_space<vmem>>
        %dma_wait3A_345 = arith.constant 0 : i32
        %dma_wait3A_346 = tpu.memref_slice %arg8[%run_scoped3A_320, %dma_wait3A_345] : memref<2x128xi32, #tpu.memory_space<vmem>> -> memref<1x128xi32, #tpu.memory_space<vmem>>
        %dma_wait3A_347 = tpu.memref_squeeze %dma_wait3A_346 : memref<1x128xi32, #tpu.memory_space<vmem>> -> memref<128xi32, #tpu.memory_space<vmem>>
        %dma_wait3A_348 = arith.constant 0 : i32
        %dma_wait3A_349 = arith.constant 0 : i32
        %dma_wait3A_350 = tpu.memref_slice %arg14[%dma_wait3A_348, %dma_wait3A_349] : memref<10000x128xf32, #tpu.memory_space<vmem_shared>> -> memref<10000x128xf32, #tpu.memory_space<vmem_shared>>
        tpu.wait_indirect_dma semaphore(%run_scoped3A_330 : memref<!tpu.dma_semaphore, #tpu.memory_space<semaphore_mem>>) src(%dma_wait3A_344 : memref<128x128xf32, #tpu.memory_space<vmem>>) dst(%dma_wait3A_350 : memref<10000x128xf32, #tpu.memory_space<vmem_shared>>)
        tpu.yield
      }) : () -> ()
      %add3A_321 = arith.constant 1 : i32
      %add3A_322 = arith.addi %mul3A_246, %add3A_321 : i32
      %add3A_323 = arith.constant 2 : i32
      %add3A_324 = arith.addi %add3A_322, %add3A_323 : i32
      %lt3A_325 = arith.constant 78 : i32
      %lt3A_326 = arith.cmpi slt, %add3A_324, %lt3A_325 : i32
      %convert_element_type3A_327 = arith.extui %lt3A_326 : i1 to i32
      %cond3A_328 = arith.constant 0 : i32
      %cond3A_329 = arith.cmpi ne, %convert_element_type3A_327, %cond3A_328 : i32
      scf.if %cond3A_329 {
        %add3A_330 = arith.constant 1 : i32
        %add3A_331 = arith.addi %mul3A_246, %add3A_330 : i32
        %add3A_332 = arith.constant 2 : i32
        %add3A_333 = arith.addi %add3A_331, %add3A_332 : i32
        %mul3A_334 = arith.constant 128 : i32
        %mul3A_335 = arith.muli %add3A_333, %mul3A_334 : i32
        %dma_start3A_336 = arith.constant 1 : i32
        %dma_start3A_337 = arith.constant 1 : i32
        %dma_start3A_338 = arith.constant 0 : i32
        %dma_start3A_339 = arith.constant 0 : i32
        %dma_start3A_340 = tpu.memref_slice %arg10[%dma_start3A_336, %dma_start3A_338, %dma_start3A_339] : memref<2x128x128xf32, #tpu.memory_space<vmem>> -> memref<1x128x128xf32, #tpu.memory_space<vmem>>
        %dma_start3A_341 = tpu.memref_squeeze %dma_start3A_340 : memref<1x128x128xf32, #tpu.memory_space<vmem>> -> memref<128x128xf32, #tpu.memory_space<vmem>>
        %dma_start3A_342 = tpu.memref_slice %arg7[%mul3A_335] : memref<10000xi32, #tpu.memory_space<vmem>> -> memref<128xi32, #tpu.memory_space<vmem>>
        %dma_start3A_343 = arith.constant 0 : i32
        %dma_start3A_344 = arith.constant 0 : i32
        %dma_start3A_345 = tpu.memref_slice %arg4[%dma_start3A_343, %dma_start3A_344] : memref<10000x128xf32, #tpu.memory_space<hbm>> -> memref<10000x128xf32, #tpu.memory_space<hbm>>
        %dma_start3A_346 = tpu.memref_slice %arg11[%dma_start3A_337] : memref<2x!tpu.dma_semaphore, #tpu.memory_space<semaphore_mem>> -> memref<1x!tpu.dma_semaphore, #tpu.memory_space<semaphore_mem>>
        %dma_start3A_347 = tpu.memref_squeeze %dma_start3A_346 : memref<1x!tpu.dma_semaphore, #tpu.memory_space<semaphore_mem>> -> memref<!tpu.dma_semaphore, #tpu.memory_space<semaphore_mem>>
        tpu.enqueue_indirect_dma source(%dma_start3A_345 : memref<10000x128xf32, #tpu.memory_space<hbm>>) target(%dma_start3A_341 : memref<128x128xf32, #tpu.memory_space<vmem>>) offsets(%dma_start3A_342 : memref<128xi32, #tpu.memory_space<vmem>>) semaphore(%dma_start3A_347 : memref<!tpu.dma_semaphore, #tpu.memory_space<semaphore_mem>>)
        %add3A_348 = arith.constant 1 : i32
        %add3A_349 = arith.addi %mul3A_246, %add3A_348 : i32
        %add3A_350 = arith.constant 2 : i32
        %add3A_351 = arith.addi %add3A_349, %add3A_350 : i32
        %mul3A_352 = arith.constant 10000 : i32
        %mul3A_353 = arith.muli %add3A, %mul3A_352 : i32
        %mul3A_354 = arith.constant 128 : i32
        %mul3A_355 = arith.muli %add3A_351, %mul3A_354 : i32
        %add3A_356 = arith.addi %mul3A_353, %mul3A_355 : i32
        %dma_start3A_357 = arith.constant 1 : i32
        %dma_start3A_358 = arith.constant 1 : i32
        %dma_start3A_359 = arith.constant 0 : i32
        %dma_start3A_360 = tpu.memref_slice %arg8[%dma_start3A_357, %dma_start3A_359] : memref<2x128xi32, #tpu.memory_space<vmem>> -> memref<1x128xi32, #tpu.memory_space<vmem>>
        %dma_start3A_361 = tpu.memref_squeeze %dma_start3A_360 : memref<1x128xi32, #tpu.memory_space<vmem>> -> memref<128xi32, #tpu.memory_space<vmem>>
        %dma_start3A_362 = tpu.memref_slice %arg3[%add3A_356] : memref<320000xi32, #tpu.memory_space<hbm>> -> memref<128xi32, #tpu.memory_space<hbm>>
        %dma_start3A_363 = tpu.memref_slice %arg12[%dma_start3A_358] : memref<2x!tpu.dma_semaphore, #tpu.memory_space<semaphore_mem>> -> memref<1x!tpu.dma_semaphore, #tpu.memory_space<semaphore_mem>>
        %dma_start3A_364 = tpu.memref_squeeze %dma_start3A_363 : memref<1x!tpu.dma_semaphore, #tpu.memory_space<semaphore_mem>> -> memref<!tpu.dma_semaphore, #tpu.memory_space<semaphore_mem>>
        %dma_start3A_365 = arith.constant 0 : i32
        %dma_start3A_366 = tpu.memref_slice %arg8[%dma_start3A_357, %dma_start3A_365] : memref<2x128xi32, #tpu.memory_space<vmem>> -> memref<1x128xi32, #tpu.memory_space<vmem>>
        %dma_start3A_367 = tpu.memref_squeeze %dma_start3A_366 : memref<1x128xi32, #tpu.memory_space<vmem>> -> memref<128xi32, #tpu.memory_space<vmem>>
        %dma_start3A_368 = tpu.memref_slice %arg3[%add3A_356] : memref<320000xi32, #tpu.memory_space<hbm>> -> memref<128xi32, #tpu.memory_space<hbm>>
        tpu.enqueue_dma source(%dma_start3A_368 : memref<128xi32, #tpu.memory_space<hbm>>) target(%dma_start3A_367 : memref<128xi32, #tpu.memory_space<vmem>>) target_semaphore(%dma_start3A_364 : memref<!tpu.dma_semaphore, #tpu.memory_space<semaphore_mem>>)
      } else {
      }
    }
    %scan3A_81 = arith.constant 39 : i32
    %mul3A_82 = arith.constant 10000 : i32
    %mul3A_83 = arith.muli %add3A, %mul3A_82 : i32
    %add3A_84 = arith.constant 9984 : i32
    %add3A_85 = arith.addi %mul3A_83, %add3A_84 : i32
    "tpu.region"() ({
      %run_scoped3A_240 = tpu.sem_alloc : memref<!tpu.dma_semaphore, #tpu.memory_space<semaphore_mem>>
      %dma_start3A_241 = tpu.memref_slice %arg3[%add3A_85] : memref<320000xi32, #tpu.memory_space<hbm>> -> memref<16xi32, #tpu.memory_space<hbm>>
      %dma_start3A_242 = tpu.memref_slice %arg3[%add3A_85] : memref<320000xi32, #tpu.memory_space<hbm>> -> memref<16xi32, #tpu.memory_space<hbm>>
      tpu.enqueue_dma source(%dma_start3A_242 : memref<16xi32, #tpu.memory_space<hbm>>) target(%arg9 : memref<16xi32, #tpu.memory_space<vmem>>) target_semaphore(%run_scoped3A_240 : memref<!tpu.dma_semaphore, #tpu.memory_space<semaphore_mem>>)
      %dma_wait3A_243 = tpu.memref_slice %arg3[%add3A_85] : memref<320000xi32, #tpu.memory_space<hbm>> -> memref<16xi32, #tpu.memory_space<hbm>>
      %dma_wait3A_244 = tpu.memref_slice %arg3[%add3A_85] : memref<320000xi32, #tpu.memory_space<hbm>> -> memref<16xi32, #tpu.memory_space<hbm>>
      tpu.wait_dma2 semaphore(%run_scoped3A_240 : memref<!tpu.dma_semaphore, #tpu.memory_space<semaphore_mem>>) src(%dma_wait3A_244 : memref<16xi32, #tpu.memory_space<hbm>>) dst(%arg9 : memref<16xi32, #tpu.memory_space<vmem>>)
      tpu.yield
    }) : () -> ()
    %dma_start3A_86 = arith.constant 0 : i32
    %dma_start3A_87 = arith.constant 0 : i32
    %dma_start3A_88 = arith.constant 0 : i32
    %dma_start3A_89 = arith.constant 0 : i32
    %dma_start3A_90 = tpu.memref_slice %arg10[%dma_start3A_86, %dma_start3A_88, %dma_start3A_89] : memref<2x128x128xf32, #tpu.memory_space<vmem>> -> memref<1x16x128xf32, #tpu.memory_space<vmem>>
    %dma_start3A_91 = tpu.memref_squeeze %dma_start3A_90 : memref<1x16x128xf32, #tpu.memory_space<vmem>> -> memref<16x128xf32, #tpu.memory_space<vmem>>
    %dma_start3A_92 = arith.constant 9984 : i32
    %dma_start3A_93 = tpu.memref_slice %arg7[%dma_start3A_92] : memref<10000xi32, #tpu.memory_space<vmem>> -> memref<16xi32, #tpu.memory_space<vmem>>
    %dma_start3A_94 = arith.constant 0 : i32
    %dma_start3A_95 = arith.constant 0 : i32
    %dma_start3A_96 = tpu.memref_slice %arg4[%dma_start3A_94, %dma_start3A_95] : memref<10000x128xf32, #tpu.memory_space<hbm>> -> memref<10000x128xf32, #tpu.memory_space<hbm>>
    %dma_start3A_97 = tpu.memref_slice %arg11[%dma_start3A_87] : memref<2x!tpu.dma_semaphore, #tpu.memory_space<semaphore_mem>> -> memref<1x!tpu.dma_semaphore, #tpu.memory_space<semaphore_mem>>
    %dma_start3A_98 = tpu.memref_squeeze %dma_start3A_97 : memref<1x!tpu.dma_semaphore, #tpu.memory_space<semaphore_mem>> -> memref<!tpu.dma_semaphore, #tpu.memory_space<semaphore_mem>>
    tpu.enqueue_indirect_dma source(%dma_start3A_96 : memref<10000x128xf32, #tpu.memory_space<hbm>>) target(%dma_start3A_91 : memref<16x128xf32, #tpu.memory_space<vmem>>) offsets(%dma_start3A_93 : memref<16xi32, #tpu.memory_space<vmem>>) semaphore(%dma_start3A_98 : memref<!tpu.dma_semaphore, #tpu.memory_space<semaphore_mem>>)
    %dma_wait3A = arith.constant 0 : i32
    %dma_wait3A_99 = arith.constant 0 : i32
    %dma_wait3A_100 = arith.constant 0 : i32
    %dma_wait3A_101 = arith.constant 0 : i32
    %dma_wait3A_102 = tpu.memref_slice %arg10[%dma_wait3A, %dma_wait3A_100, %dma_wait3A_101] : memref<2x128x128xf32, #tpu.memory_space<vmem>> -> memref<1x16x128xf32, #tpu.memory_space<vmem>>
    %dma_wait3A_103 = tpu.memref_squeeze %dma_wait3A_102 : memref<1x16x128xf32, #tpu.memory_space<vmem>> -> memref<16x128xf32, #tpu.memory_space<vmem>>
    %dma_wait3A_104 = arith.constant 9984 : i32
    %dma_wait3A_105 = tpu.memref_slice %arg7[%dma_wait3A_104] : memref<10000xi32, #tpu.memory_space<vmem>> -> memref<16xi32, #tpu.memory_space<vmem>>
    %dma_wait3A_106 = arith.constant 0 : i32
    %dma_wait3A_107 = arith.constant 0 : i32
    %dma_wait3A_108 = tpu.memref_slice %arg4[%dma_wait3A_106, %dma_wait3A_107] : memref<10000x128xf32, #tpu.memory_space<hbm>> -> memref<10000x128xf32, #tpu.memory_space<hbm>>
    %dma_wait3A_109 = tpu.memref_slice %arg11[%dma_wait3A_99] : memref<2x!tpu.dma_semaphore, #tpu.memory_space<semaphore_mem>> -> memref<1x!tpu.dma_semaphore, #tpu.memory_space<semaphore_mem>>
    %dma_wait3A_110 = tpu.memref_squeeze %dma_wait3A_109 : memref<1x!tpu.dma_semaphore, #tpu.memory_space<semaphore_mem>> -> memref<!tpu.dma_semaphore, #tpu.memory_space<semaphore_mem>>
    tpu.wait_indirect_dma semaphore(%dma_wait3A_110 : memref<!tpu.dma_semaphore, #tpu.memory_space<semaphore_mem>>) src(%dma_wait3A_108 : memref<10000x128xf32, #tpu.memory_space<hbm>>) dst(%dma_wait3A_103 : memref<16x128xf32, #tpu.memory_space<vmem>>)
    %run_scoped3A = arith.constant 0 : i32
    "tpu.region"() ({
      %run_scoped3A_240 = tpu.sem_alloc : memref<!tpu.dma_semaphore, #tpu.memory_space<semaphore_mem>>
      %dma_start3A_241 = arith.constant 0 : i32
      %dma_start3A_242 = arith.constant 0 : i32
      %dma_start3A_243 = tpu.memref_slice %arg10[%run_scoped3A, %dma_start3A_241, %dma_start3A_242] : memref<2x128x128xf32, #tpu.memory_space<vmem>> -> memref<1x16x128xf32, #tpu.memory_space<vmem>>
      %dma_start3A_244 = tpu.memref_squeeze %dma_start3A_243 : memref<1x16x128xf32, #tpu.memory_space<vmem>> -> memref<16x128xf32, #tpu.memory_space<vmem>>
      %dma_start3A_245 = arith.constant 0 : i32
      %dma_start3A_246 = arith.constant 0 : i32
      %dma_start3A_247 = tpu.memref_slice %arg14[%dma_start3A_245, %dma_start3A_246] : memref<10000x128xf32, #tpu.memory_space<vmem_shared>> -> memref<10000x128xf32, #tpu.memory_space<vmem_shared>>
      tpu.enqueue_indirect_dma source(%dma_start3A_244 : memref<16x128xf32, #tpu.memory_space<vmem>>) target(%dma_start3A_247 : memref<10000x128xf32, #tpu.memory_space<vmem_shared>>) offsets(%arg9 : memref<16xi32, #tpu.memory_space<vmem>>) semaphore(%run_scoped3A_240 : memref<!tpu.dma_semaphore, #tpu.memory_space<semaphore_mem>>) {add = true}
      %dma_wait3A_248 = arith.constant 0 : i32
      %dma_wait3A_249 = arith.constant 0 : i32
      %dma_wait3A_250 = tpu.memref_slice %arg10[%run_scoped3A, %dma_wait3A_248, %dma_wait3A_249] : memref<2x128x128xf32, #tpu.memory_space<vmem>> -> memref<1x16x128xf32, #tpu.memory_space<vmem>>
      %dma_wait3A_251 = tpu.memref_squeeze %dma_wait3A_250 : memref<1x16x128xf32, #tpu.memory_space<vmem>> -> memref<16x128xf32, #tpu.memory_space<vmem>>
      %dma_wait3A_252 = arith.constant 0 : i32
      %dma_wait3A_253 = arith.constant 0 : i32
      %dma_wait3A_254 = tpu.memref_slice %arg14[%dma_wait3A_252, %dma_wait3A_253] : memref<10000x128xf32, #tpu.memory_space<vmem_shared>> -> memref<10000x128xf32, #tpu.memory_space<vmem_shared>>
      tpu.wait_indirect_dma semaphore(%run_scoped3A_240 : memref<!tpu.dma_semaphore, #tpu.memory_space<semaphore_mem>>) src(%dma_wait3A_251 : memref<16x128xf32, #tpu.memory_space<vmem>>) dst(%dma_wait3A_254 : memref<10000x128xf32, #tpu.memory_space<vmem_shared>>)
      tpu.yield
    }) : () -> ()
    %barrier3A_111 = arith.constant 0 : index
    tpu.barrier barrier_id(%barrier3A_111)
    %scan3A_112 = arith.constant 0 : i32
    %scan3A_113 = arith.constant 4 : i32
    %scan3A_114 = arith.addi %scan3A_112, %scan3A_113 : i32
    %scan3A_115 = arith.constant 1 : i32
    scf.for %scan3A_240 = %scan3A_112 to %scan3A_114 step %scan3A_115  : i32 {
      %mul3A_241 = arith.constant 2 : i32
      %mul3A_242 = arith.muli %scan3A_240, %mul3A_241 : i32
      %add3A_243 = arith.constant 0 : i32
      %add3A_244 = arith.addi %add3A_243, %mul3A_242 : i32
      %add3A_245 = arith.constant 0 : i32
      %add3A_246 = arith.addi %add3A_244, %add3A_245 : i32
      %mul3A_247 = arith.constant 16 : i32
      %mul3A_248 = arith.muli %add3A_246, %mul3A_247 : i32
      %add3A_249 = arith.addi %mul3A_248, %arg1 : i32
      %lt3A = arith.constant 125 : i32
      %lt3A_250 = arith.cmpi slt, %add3A_249, %lt3A : i32
      %convert_element_type3A = arith.extui %lt3A_250 : i1 to i32
      %cond3A = arith.constant 0 : i32
      %cond3A_251 = arith.cmpi ne, %convert_element_type3A, %cond3A : i32
      scf.if %cond3A_251 {
        %ge3A = arith.constant 2 : i32
        %ge3A_262 = arith.cmpi sge, %add3A_246, %ge3A : i32
        %convert_element_type3A_263 = arith.extui %ge3A_262 : i1 to i32
        %cond3A_264 = arith.constant 0 : i32
        %cond3A_265 = arith.cmpi ne, %convert_element_type3A_263, %cond3A_264 : i32
        scf.if %cond3A_265 {
          %dma_wait3A_284 = arith.constant 0 : i32
          %dma_wait3A_285 = arith.constant 0 : i32
          %dma_wait3A_286 = arith.constant 0 : i32
          %dma_wait3A_287 = tpu.memref_slice %arg10[%dma_wait3A_284, %dma_wait3A_285, %dma_wait3A_286] : memref<2x128x128xf32, #tpu.memory_space<vmem>> -> memref<1x80x128xf32, #tpu.memory_space<vmem>>
          %dma_wait3A_288 = tpu.memref_squeeze %dma_wait3A_287 : memref<1x80x128xf32, #tpu.memory_space<vmem>> -> memref<80x128xf32, #tpu.memory_space<vmem>>
          %dma_wait3A_289 = arith.constant 0 : i32
          %dma_wait3A_290 = arith.constant 0 : i32
          %dma_wait3A_291 = tpu.memref_slice %arg5[%arg0, %dma_wait3A_289, %dma_wait3A_290] : memref<2x10000x128xf32, #tpu.memory_space<hbm>> -> memref<1x80x128xf32, #tpu.memory_space<hbm>>
          %dma_wait3A_292 = tpu.memref_squeeze %dma_wait3A_291 : memref<1x80x128xf32, #tpu.memory_space<hbm>> -> memref<80x128xf32, #tpu.memory_space<hbm>>
          %dma_wait3A_293 = arith.constant 0 : i32
          %dma_wait3A_294 = arith.constant 0 : i32
          %dma_wait3A_295 = tpu.memref_slice %arg5[%arg0, %dma_wait3A_293, %dma_wait3A_294] : memref<2x10000x128xf32, #tpu.memory_space<hbm>> -> memref<1x80x128xf32, #tpu.memory_space<hbm>>
          %dma_wait3A_296 = tpu.memref_squeeze %dma_wait3A_295 : memref<1x80x128xf32, #tpu.memory_space<hbm>> -> memref<80x128xf32, #tpu.memory_space<hbm>>
          %dma_wait3A_297 = arith.constant 0 : i32
          %dma_wait3A_298 = arith.constant 0 : i32
          %dma_wait3A_299 = tpu.memref_slice %arg10[%dma_wait3A_284, %dma_wait3A_297, %dma_wait3A_298] : memref<2x128x128xf32, #tpu.memory_space<vmem>> -> memref<1x80x128xf32, #tpu.memory_space<vmem>>
          %dma_wait3A_300 = tpu.memref_squeeze %dma_wait3A_299 : memref<1x80x128xf32, #tpu.memory_space<vmem>> -> memref<80x128xf32, #tpu.memory_space<vmem>>
          tpu.wait_dma2 semaphore(%arg13 : memref<!tpu.dma_semaphore, #tpu.memory_space<semaphore_mem>>) src(%dma_wait3A_300 : memref<80x128xf32, #tpu.memory_space<vmem>>) dst(%dma_wait3A_296 : memref<80x128xf32, #tpu.memory_space<hbm>>)
        } else {
        }
        %mul3A_266 = arith.constant 80 : i32
        %mul3A_267 = arith.muli %add3A_249, %mul3A_266 : i32
        %run_scoped3A_268 = arith.constant 0 : i32
        "tpu.region"() ({
          %run_scoped3A_284 = tpu.sem_alloc : memref<!tpu.dma_semaphore, #tpu.memory_space<semaphore_mem>>
          %dma_start3A_285 = arith.constant 0 : i32
          %dma_start3A_286 = arith.constant 0 : i32
          %dma_start3A_287 = tpu.memref_slice %arg10[%run_scoped3A_268, %dma_start3A_285, %dma_start3A_286] : memref<2x128x128xf32, #tpu.memory_space<vmem>> -> memref<1x80x128xf32, #tpu.memory_space<vmem>>
          %dma_start3A_288 = tpu.memref_squeeze %dma_start3A_287 : memref<1x80x128xf32, #tpu.memory_space<vmem>> -> memref<80x128xf32, #tpu.memory_space<vmem>>
          %dma_start3A_289 = arith.constant 0 : i32
          %dma_start3A_290 = tpu.memref_slice %arg14[%mul3A_267, %dma_start3A_289] : memref<10000x128xf32, #tpu.memory_space<vmem_shared>> -> memref<80x128xf32, #tpu.memory_space<vmem_shared>>
          %dma_start3A_291 = arith.constant 0 : i32
          %dma_start3A_292 = arith.constant 0 : i32
          %dma_start3A_293 = tpu.memref_slice %arg10[%run_scoped3A_268, %dma_start3A_291, %dma_start3A_292] : memref<2x128x128xf32, #tpu.memory_space<vmem>> -> memref<1x80x128xf32, #tpu.memory_space<vmem>>
          %dma_start3A_294 = tpu.memref_squeeze %dma_start3A_293 : memref<1x80x128xf32, #tpu.memory_space<vmem>> -> memref<80x128xf32, #tpu.memory_space<vmem>>
          %dma_start3A_295 = arith.constant 0 : i32
          %dma_start3A_296 = tpu.memref_slice %arg14[%mul3A_267, %dma_start3A_295] : memref<10000x128xf32, #tpu.memory_space<vmem_shared>> -> memref<80x128xf32, #tpu.memory_space<vmem_shared>>
          tpu.enqueue_dma source(%dma_start3A_296 : memref<80x128xf32, #tpu.memory_space<vmem_shared>>) target(%dma_start3A_294 : memref<80x128xf32, #tpu.memory_space<vmem>>) target_semaphore(%run_scoped3A_284 : memref<!tpu.dma_semaphore, #tpu.memory_space<semaphore_mem>>)
          %dma_wait3A_297 = arith.constant 0 : i32
          %dma_wait3A_298 = arith.constant 0 : i32
          %dma_wait3A_299 = tpu.memref_slice %arg10[%run_scoped3A_268, %dma_wait3A_297, %dma_wait3A_298] : memref<2x128x128xf32, #tpu.memory_space<vmem>> -> memref<1x80x128xf32, #tpu.memory_space<vmem>>
          %dma_wait3A_300 = tpu.memref_squeeze %dma_wait3A_299 : memref<1x80x128xf32, #tpu.memory_space<vmem>> -> memref<80x128xf32, #tpu.memory_space<vmem>>
          %dma_wait3A_301 = arith.constant 0 : i32
          %dma_wait3A_302 = tpu.memref_slice %arg14[%mul3A_267, %dma_wait3A_301] : memref<10000x128xf32, #tpu.memory_space<vmem_shared>> -> memref<80x128xf32, #tpu.memory_space<vmem_shared>>
          %dma_wait3A_303 = arith.constant 0 : i32
          %dma_wait3A_304 = arith.constant 0 : i32
          %dma_wait3A_305 = tpu.memref_slice %arg10[%run_scoped3A_268, %dma_wait3A_303, %dma_wait3A_304] : memref<2x128x128xf32, #tpu.memory_space<vmem>> -> memref<1x80x128xf32, #tpu.memory_space<vmem>>
          %dma_wait3A_306 = tpu.memref_squeeze %dma_wait3A_305 : memref<1x80x128xf32, #tpu.memory_space<vmem>> -> memref<80x128xf32, #tpu.memory_space<vmem>>
          %dma_wait3A_307 = arith.constant 0 : i32
          %dma_wait3A_308 = tpu.memref_slice %arg14[%mul3A_267, %dma_wait3A_307] : memref<10000x128xf32, #tpu.memory_space<vmem_shared>> -> memref<80x128xf32, #tpu.memory_space<vmem_shared>>
          tpu.wait_dma2 semaphore(%run_scoped3A_284 : memref<!tpu.dma_semaphore, #tpu.memory_space<semaphore_mem>>) src(%dma_wait3A_308 : memref<80x128xf32, #tpu.memory_space<vmem_shared>>) dst(%dma_wait3A_306 : memref<80x128xf32, #tpu.memory_space<vmem>>)
          tpu.yield
        }) : () -> ()
        %dma_start3A_269 = arith.constant 0 : i32
        %dma_start3A_270 = arith.constant 0 : i32
        %dma_start3A_271 = arith.constant 0 : i32
        %dma_start3A_272 = tpu.memref_slice %arg10[%dma_start3A_269, %dma_start3A_270, %dma_start3A_271] : memref<2x128x128xf32, #tpu.memory_space<vmem>> -> memref<1x80x128xf32, #tpu.memory_space<vmem>>
        %dma_start3A_273 = tpu.memref_squeeze %dma_start3A_272 : memref<1x80x128xf32, #tpu.memory_space<vmem>> -> memref<80x128xf32, #tpu.memory_space<vmem>>
        %dma_start3A_274 = arith.constant 0 : i32
        %dma_start3A_275 = tpu.memref_slice %arg5[%arg0, %mul3A_267, %dma_start3A_274] : memref<2x10000x128xf32, #tpu.memory_space<hbm>> -> memref<1x80x128xf32, #tpu.memory_space<hbm>>
        %dma_start3A_276 = tpu.memref_squeeze %dma_start3A_275 : memref<1x80x128xf32, #tpu.memory_space<hbm>> -> memref<80x128xf32, #tpu.memory_space<hbm>>
        %dma_start3A_277 = arith.constant 0 : i32
        %dma_start3A_278 = tpu.memref_slice %arg5[%arg0, %mul3A_267, %dma_start3A_277] : memref<2x10000x128xf32, #tpu.memory_space<hbm>> -> memref<1x80x128xf32, #tpu.memory_space<hbm>>
        %dma_start3A_279 = tpu.memref_squeeze %dma_start3A_278 : memref<1x80x128xf32, #tpu.memory_space<hbm>> -> memref<80x128xf32, #tpu.memory_space<hbm>>
        %dma_start3A_280 = arith.constant 0 : i32
        %dma_start3A_281 = arith.constant 0 : i32
        %dma_start3A_282 = tpu.memref_slice %arg10[%dma_start3A_269, %dma_start3A_280, %dma_start3A_281] : memref<2x128x128xf32, #tpu.memory_space<vmem>> -> memref<1x80x128xf32, #tpu.memory_space<vmem>>
        %dma_start3A_283 = tpu.memref_squeeze %dma_start3A_282 : memref<1x80x128xf32, #tpu.memory_space<vmem>> -> memref<80x128xf32, #tpu.memory_space<vmem>>
        tpu.enqueue_dma source(%dma_start3A_283 : memref<80x128xf32, #tpu.memory_space<vmem>>) target(%dma_start3A_279 : memref<80x128xf32, #tpu.memory_space<hbm>>) target_semaphore(%arg13 : memref<!tpu.dma_semaphore, #tpu.memory_space<semaphore_mem>>)
      } else {
      }
      %add3A_252 = arith.constant 1 : i32
      %add3A_253 = arith.addi %add3A_244, %add3A_252 : i32
      %mul3A_254 = arith.constant 16 : i32
      %mul3A_255 = arith.muli %add3A_253, %mul3A_254 : i32
      %add3A_256 = arith.addi %mul3A_255, %arg1 : i32
      %lt3A_257 = arith.constant 125 : i32
      %lt3A_258 = arith.cmpi slt, %add3A_256, %lt3A_257 : i32
      %convert_element_type3A_259 = arith.extui %lt3A_258 : i1 to i32
      %cond3A_260 = arith.constant 0 : i32
      %cond3A_261 = arith.cmpi ne, %convert_element_type3A_259, %cond3A_260 : i32
      scf.if %cond3A_261 {
        %ge3A = arith.constant 2 : i32
        %ge3A_262 = arith.cmpi sge, %add3A_253, %ge3A : i32
        %convert_element_type3A_263 = arith.extui %ge3A_262 : i1 to i32
        %cond3A_264 = arith.constant 0 : i32
        %cond3A_265 = arith.cmpi ne, %convert_element_type3A_263, %cond3A_264 : i32
        scf.if %cond3A_265 {
          %dma_wait3A_284 = arith.constant 1 : i32
          %dma_wait3A_285 = arith.constant 0 : i32
          %dma_wait3A_286 = arith.constant 0 : i32
          %dma_wait3A_287 = tpu.memref_slice %arg10[%dma_wait3A_284, %dma_wait3A_285, %dma_wait3A_286] : memref<2x128x128xf32, #tpu.memory_space<vmem>> -> memref<1x80x128xf32, #tpu.memory_space<vmem>>
          %dma_wait3A_288 = tpu.memref_squeeze %dma_wait3A_287 : memref<1x80x128xf32, #tpu.memory_space<vmem>> -> memref<80x128xf32, #tpu.memory_space<vmem>>
          %dma_wait3A_289 = arith.constant 0 : i32
          %dma_wait3A_290 = arith.constant 0 : i32
          %dma_wait3A_291 = tpu.memref_slice %arg5[%arg0, %dma_wait3A_289, %dma_wait3A_290] : memref<2x10000x128xf32, #tpu.memory_space<hbm>> -> memref<1x80x128xf32, #tpu.memory_space<hbm>>
          %dma_wait3A_292 = tpu.memref_squeeze %dma_wait3A_291 : memref<1x80x128xf32, #tpu.memory_space<hbm>> -> memref<80x128xf32, #tpu.memory_space<hbm>>
          %dma_wait3A_293 = arith.constant 0 : i32
          %dma_wait3A_294 = arith.constant 0 : i32
          %dma_wait3A_295 = tpu.memref_slice %arg5[%arg0, %dma_wait3A_293, %dma_wait3A_294] : memref<2x10000x128xf32, #tpu.memory_space<hbm>> -> memref<1x80x128xf32, #tpu.memory_space<hbm>>
          %dma_wait3A_296 = tpu.memref_squeeze %dma_wait3A_295 : memref<1x80x128xf32, #tpu.memory_space<hbm>> -> memref<80x128xf32, #tpu.memory_space<hbm>>
          %dma_wait3A_297 = arith.constant 0 : i32
          %dma_wait3A_298 = arith.constant 0 : i32
          %dma_wait3A_299 = tpu.memref_slice %arg10[%dma_wait3A_284, %dma_wait3A_297, %dma_wait3A_298] : memref<2x128x128xf32, #tpu.memory_space<vmem>> -> memref<1x80x128xf32, #tpu.memory_space<vmem>>
          %dma_wait3A_300 = tpu.memref_squeeze %dma_wait3A_299 : memref<1x80x128xf32, #tpu.memory_space<vmem>> -> memref<80x128xf32, #tpu.memory_space<vmem>>
          tpu.wait_dma2 semaphore(%arg13 : memref<!tpu.dma_semaphore, #tpu.memory_space<semaphore_mem>>) src(%dma_wait3A_300 : memref<80x128xf32, #tpu.memory_space<vmem>>) dst(%dma_wait3A_296 : memref<80x128xf32, #tpu.memory_space<hbm>>)
        } else {
        }
        %mul3A_266 = arith.constant 80 : i32
        %mul3A_267 = arith.muli %add3A_256, %mul3A_266 : i32
        %run_scoped3A_268 = arith.constant 1 : i32
        "tpu.region"() ({
          %run_scoped3A_284 = tpu.sem_alloc : memref<!tpu.dma_semaphore, #tpu.memory_space<semaphore_mem>>
          %dma_start3A_285 = arith.constant 0 : i32
          %dma_start3A_286 = arith.constant 0 : i32
          %dma_start3A_287 = tpu.memref_slice %arg10[%run_scoped3A_268, %dma_start3A_285, %dma_start3A_286] : memref<2x128x128xf32, #tpu.memory_space<vmem>> -> memref<1x80x128xf32, #tpu.memory_space<vmem>>
          %dma_start3A_288 = tpu.memref_squeeze %dma_start3A_287 : memref<1x80x128xf32, #tpu.memory_space<vmem>> -> memref<80x128xf32, #tpu.memory_space<vmem>>
          %dma_start3A_289 = arith.constant 0 : i32
          %dma_start3A_290 = tpu.memref_slice %arg14[%mul3A_267, %dma_start3A_289] : memref<10000x128xf32, #tpu.memory_space<vmem_shared>> -> memref<80x128xf32, #tpu.memory_space<vmem_shared>>
          %dma_start3A_291 = arith.constant 0 : i32
          %dma_start3A_292 = arith.constant 0 : i32
          %dma_start3A_293 = tpu.memref_slice %arg10[%run_scoped3A_268, %dma_start3A_291, %dma_start3A_292] : memref<2x128x128xf32, #tpu.memory_space<vmem>> -> memref<1x80x128xf32, #tpu.memory_space<vmem>>
          %dma_start3A_294 = tpu.memref_squeeze %dma_start3A_293 : memref<1x80x128xf32, #tpu.memory_space<vmem>> -> memref<80x128xf32, #tpu.memory_space<vmem>>
          %dma_start3A_295 = arith.constant 0 : i32
          %dma_start3A_296 = tpu.memref_slice %arg14[%mul3A_267, %dma_start3A_295] : memref<10000x128xf32, #tpu.memory_space<vmem_shared>> -> memref<80x128xf32, #tpu.memory_space<vmem_shared>>
          tpu.enqueue_dma source(%dma_start3A_296 : memref<80x128xf32, #tpu.memory_space<vmem_shared>>) target(%dma_start3A_294 : memref<80x128xf32, #tpu.memory_space<vmem>>) target_semaphore(%run_scoped3A_284 : memref<!tpu.dma_semaphore, #tpu.memory_space<semaphore_mem>>)
          %dma_wait3A_297 = arith.constant 0 : i32
          %dma_wait3A_298 = arith.constant 0 : i32
          %dma_wait3A_299 = tpu.memref_slice %arg10[%run_scoped3A_268, %dma_wait3A_297, %dma_wait3A_298] : memref<2x128x128xf32, #tpu.memory_space<vmem>> -> memref<1x80x128xf32, #tpu.memory_space<vmem>>
          %dma_wait3A_300 = tpu.memref_squeeze %dma_wait3A_299 : memref<1x80x128xf32, #tpu.memory_space<vmem>> -> memref<80x128xf32, #tpu.memory_space<vmem>>
          %dma_wait3A_301 = arith.constant 0 : i32
          %dma_wait3A_302 = tpu.memref_slice %arg14[%mul3A_267, %dma_wait3A_301] : memref<10000x128xf32, #tpu.memory_space<vmem_shared>> -> memref<80x128xf32, #tpu.memory_space<vmem_shared>>
          %dma_wait3A_303 = arith.constant 0 : i32
          %dma_wait3A_304 = arith.constant 0 : i32
          %dma_wait3A_305 = tpu.memref_slice %arg10[%run_scoped3A_268, %dma_wait3A_303, %dma_wait3A_304] : memref<2x128x128xf32, #tpu.memory_space<vmem>> -> memref<1x80x128xf32, #tpu.memory_space<vmem>>
          %dma_wait3A_306 = tpu.memref_squeeze %dma_wait3A_305 : memref<1x80x128xf32, #tpu.memory_space<vmem>> -> memref<80x128xf32, #tpu.memory_space<vmem>>
          %dma_wait3A_307 = arith.constant 0 : i32
          %dma_wait3A_308 = tpu.memref_slice %arg14[%mul3A_267, %dma_wait3A_307] : memref<10000x128xf32, #tpu.memory_space<vmem_shared>> -> memref<80x128xf32, #tpu.memory_space<vmem_shared>>
          tpu.wait_dma2 semaphore(%run_scoped3A_284 : memref<!tpu.dma_semaphore, #tpu.memory_space<semaphore_mem>>) src(%dma_wait3A_308 : memref<80x128xf32, #tpu.memory_space<vmem_shared>>) dst(%dma_wait3A_306 : memref<80x128xf32, #tpu.memory_space<vmem>>)
          tpu.yield
        }) : () -> ()
        %dma_start3A_269 = arith.constant 1 : i32
        %dma_start3A_270 = arith.constant 0 : i32
        %dma_start3A_271 = arith.constant 0 : i32
        %dma_start3A_272 = tpu.memref_slice %arg10[%dma_start3A_269, %dma_start3A_270, %dma_start3A_271] : memref<2x128x128xf32, #tpu.memory_space<vmem>> -> memref<1x80x128xf32, #tpu.memory_space<vmem>>
        %dma_start3A_273 = tpu.memref_squeeze %dma_start3A_272 : memref<1x80x128xf32, #tpu.memory_space<vmem>> -> memref<80x128xf32, #tpu.memory_space<vmem>>
        %dma_start3A_274 = arith.constant 0 : i32
        %dma_start3A_275 = tpu.memref_slice %arg5[%arg0, %mul3A_267, %dma_start3A_274] : memref<2x10000x128xf32, #tpu.memory_space<hbm>> -> memref<1x80x128xf32, #tpu.memory_space<hbm>>
        %dma_start3A_276 = tpu.memref_squeeze %dma_start3A_275 : memref<1x80x128xf32, #tpu.memory_space<hbm>> -> memref<80x128xf32, #tpu.memory_space<hbm>>
        %dma_start3A_277 = arith.constant 0 : i32
        %dma_start3A_278 = tpu.memref_slice %arg5[%arg0, %mul3A_267, %dma_start3A_277] : memref<2x10000x128xf32, #tpu.memory_space<hbm>> -> memref<1x80x128xf32, #tpu.memory_space<hbm>>
        %dma_start3A_279 = tpu.memref_squeeze %dma_start3A_278 : memref<1x80x128xf32, #tpu.memory_space<hbm>> -> memref<80x128xf32, #tpu.memory_space<hbm>>
        %dma_start3A_280 = arith.constant 0 : i32
        %dma_start3A_281 = arith.constant 0 : i32
        %dma_start3A_282 = tpu.memref_slice %arg10[%dma_start3A_269, %dma_start3A_280, %dma_start3A_281] : memref<2x128x128xf32, #tpu.memory_space<vmem>> -> memref<1x80x128xf32, #tpu.memory_space<vmem>>
        %dma_start3A_283 = tpu.memref_squeeze %dma_start3A_282 : memref<1x80x128xf32, #tpu.memory_space<vmem>> -> memref<80x128xf32, #tpu.memory_space<vmem>>
        tpu.enqueue_dma source(%dma_start3A_283 : memref<80x128xf32, #tpu.memory_space<vmem>>) target(%dma_start3A_279 : memref<80x128xf32, #tpu.memory_space<hbm>>) target_semaphore(%arg13 : memref<!tpu.dma_semaphore, #tpu.memory_space<semaphore_mem>>)
      } else {
      }
    }
    %scan3A_116 = arith.constant 4 : i32
    %dma_wait3A_117 = arith.constant 0 : i32
    %dma_wait3A_118 = arith.constant 0 : i32
    %dma_wait3A_119 = arith.constant 0 : i32
    %dma_wait3A_120 = tpu.memref_slice %arg10[%dma_wait3A_117, %dma_wait3A_118, %dma_wait3A_119] : memref<2x128x128xf32, #tpu.memory_space<vmem>> -> memref<1x80x128xf32, #tpu.memory_space<vmem>>
    %dma_wait3A_121 = tpu.memref_squeeze %dma_wait3A_120 : memref<1x80x128xf32, #tpu.memory_space<vmem>> -> memref<80x128xf32, #tpu.memory_space<vmem>>
    %dma_wait3A_122 = arith.constant 0 : i32
    %dma_wait3A_123 = arith.constant 0 : i32
    %dma_wait3A_124 = tpu.memref_slice %arg5[%arg0, %dma_wait3A_122, %dma_wait3A_123] : memref<2x10000x128xf32, #tpu.memory_space<hbm>> -> memref<1x80x128xf32, #tpu.memory_space<hbm>>
    %dma_wait3A_125 = tpu.memref_squeeze %dma_wait3A_124 : memref<1x80x128xf32, #tpu.memory_space<hbm>> -> memref<80x128xf32, #tpu.memory_space<hbm>>
    %dma_wait3A_126 = arith.constant 0 : i32
    %dma_wait3A_127 = arith.constant 0 : i32
    %dma_wait3A_128 = tpu.memref_slice %arg5[%arg0, %dma_wait3A_126, %dma_wait3A_127] : memref<2x10000x128xf32, #tpu.memory_space<hbm>> -> memref<1x80x128xf32, #tpu.memory_space<hbm>>
    %dma_wait3A_129 = tpu.memref_squeeze %dma_wait3A_128 : memref<1x80x128xf32, #tpu.memory_space<hbm>> -> memref<80x128xf32, #tpu.memory_space<hbm>>
    %dma_wait3A_130 = arith.constant 0 : i32
    %dma_wait3A_131 = arith.constant 0 : i32
    %dma_wait3A_132 = tpu.memref_slice %arg10[%dma_wait3A_117, %dma_wait3A_130, %dma_wait3A_131] : memref<2x128x128xf32, #tpu.memory_space<vmem>> -> memref<1x80x128xf32, #tpu.memory_space<vmem>>
    %dma_wait3A_133 = tpu.memref_squeeze %dma_wait3A_132 : memref<1x80x128xf32, #tpu.memory_space<vmem>> -> memref<80x128xf32, #tpu.memory_space<vmem>>
    tpu.wait_dma2 semaphore(%arg13 : memref<!tpu.dma_semaphore, #tpu.memory_space<semaphore_mem>>) src(%dma_wait3A_133 : memref<80x128xf32, #tpu.memory_space<vmem>>) dst(%dma_wait3A_129 : memref<80x128xf32, #tpu.memory_space<hbm>>)
    %dma_wait3A_134 = arith.constant 1 : i32
    %dma_wait3A_135 = arith.constant 0 : i32
    %dma_wait3A_136 = arith.constant 0 : i32
    %dma_wait3A_137 = tpu.memref_slice %arg10[%dma_wait3A_134, %dma_wait3A_135, %dma_wait3A_136] : memref<2x128x128xf32, #tpu.memory_space<vmem>> -> memref<1x80x128xf32, #tpu.memory_space<vmem>>
    %dma_wait3A_138 = tpu.memref_squeeze %dma_wait3A_137 : memref<1x80x128xf32, #tpu.memory_space<vmem>> -> memref<80x128xf32, #tpu.memory_space<vmem>>
    %dma_wait3A_139 = arith.constant 0 : i32
    %dma_wait3A_140 = arith.constant 0 : i32
    %dma_wait3A_141 = tpu.memref_slice %arg5[%arg0, %dma_wait3A_139, %dma_wait3A_140] : memref<2x10000x128xf32, #tpu.memory_space<hbm>> -> memref<1x80x128xf32, #tpu.memory_space<hbm>>
    %dma_wait3A_142 = tpu.memref_squeeze %dma_wait3A_141 : memref<1x80x128xf32, #tpu.memory_space<hbm>> -> memref<80x128xf32, #tpu.memory_space<hbm>>
    %dma_wait3A_143 = arith.constant 0 : i32
    %dma_wait3A_144 = arith.constant 0 : i32
    %dma_wait3A_145 = tpu.memref_slice %arg5[%arg0, %dma_wait3A_143, %dma_wait3A_144] : memref<2x10000x128xf32, #tpu.memory_space<hbm>> -> memref<1x80x128xf32, #tpu.memory_space<hbm>>
    %dma_wait3A_146 = tpu.memref_squeeze %dma_wait3A_145 : memref<1x80x128xf32, #tpu.memory_space<hbm>> -> memref<80x128xf32, #tpu.memory_space<hbm>>
    %dma_wait3A_147 = arith.constant 0 : i32
    %dma_wait3A_148 = arith.constant 0 : i32
    %dma_wait3A_149 = tpu.memref_slice %arg10[%dma_wait3A_134, %dma_wait3A_147, %dma_wait3A_148] : memref<2x128x128xf32, #tpu.memory_space<vmem>> -> memref<1x80x128xf32, #tpu.memory_space<vmem>>
    %dma_wait3A_150 = tpu.memref_squeeze %dma_wait3A_149 : memref<1x80x128xf32, #tpu.memory_space<vmem>> -> memref<80x128xf32, #tpu.memory_space<vmem>>
    tpu.wait_dma2 semaphore(%arg13 : memref<!tpu.dma_semaphore, #tpu.memory_space<semaphore_mem>>) src(%dma_wait3A_150 : memref<80x128xf32, #tpu.memory_space<vmem>>) dst(%dma_wait3A_146 : memref<80x128xf32, #tpu.memory_space<hbm>>)
    %barrier3A_151 = arith.constant 0 : index
    tpu.barrier barrier_id(%barrier3A_151)
    %scan3A_152 = arith.constant 0 : i32
    %scan3A_153 = arith.constant 128 : i32
    %scan3A_154 = arith.addi %scan3A_152, %scan3A_153 : i32
    %scan3A_155 = arith.constant 1 : i32
    scf.for %scan3A_240 = %scan3A_152 to %scan3A_154 step %scan3A_155  : i32 {
      %mul3A_241 = arith.constant 1 : i32
      %mul3A_242 = arith.muli %scan3A_240, %mul3A_241 : i32
      %add3A_243 = arith.constant 0 : i32
      %add3A_244 = arith.addi %add3A_243, %mul3A_242 : i32
      %scan3A_245 = arith.constant 0 : i32
      %scan3A_246 = arith.constant 8 : i32
      %scan3A_247 = arith.addi %scan3A_245, %scan3A_246 : i32
      %scan3A_248 = arith.constant 1 : i32
      scf.for %scan3A_250 = %scan3A_245 to %scan3A_247 step %scan3A_248  : i32 {
        %mul3A_251 = arith.constant 1 : i32
        %mul3A_252 = arith.muli %scan3A_250, %mul3A_251 : i32
        %add3A_253 = arith.constant 0 : i32
        %add3A_254 = arith.addi %add3A_253, %mul3A_252 : i32
        %mul3A_255 = arith.constant 16 : i32
        %mul3A_256 = arith.muli %add3A_254, %mul3A_255 : i32
        %swap3A = arith.constant 0 : i32
        %swap3A_257 = arith.index_cast %swap3A : i32 to index
        %swap3A_258 = arith.index_cast %add3A_244 : i32 to index
        %swap3A_259 = arith.index_cast %mul3A_256 : i32 to index
        %swap3A_260 = tpu.vector_load %arg10[%swap3A_257, %swap3A_258, %swap3A_259] {strides = array<i32>} : memref<2x128x128xf32, #tpu.memory_space<vmem>>, vector<1x1x16xf32>,
        %swap3A_261 = vector.shape_cast %swap3A_260 : vector<1x1x16xf32> to vector<16xf32>
        %swap3A_262 = vector.shape_cast %broadcast_in_dim3A_3 : vector<16xf32> to vector<1x1x16xf32>
        tpu.vector_store %arg10[%swap3A_257, %swap3A_258, %swap3A_259], %swap3A_262 {strides = array<i32>} : memref<2x128x128xf32, #tpu.memory_space<vmem>>, vector<1x1x16xf32>,
      }
      %scan3A_249 = arith.constant 8 : i32
    }
    %scan3A_156 = arith.constant 128 : i32
    %mul3A_157 = arith.constant 10000 : i32
    %mul3A_158 = arith.muli %add3A, %mul3A_157 : i32
    %add3A_159 = arith.constant 0 : i32
    %add3A_160 = arith.addi %mul3A_158, %add3A_159 : i32
    %dma_start3A_161 = arith.constant 0 : i32
    %dma_start3A_162 = arith.constant 0 : i32
    %dma_start3A_163 = arith.constant 0 : i32
    %dma_start3A_164 = tpu.memref_slice %arg8[%dma_start3A_161, %dma_start3A_163] : memref<2x128xi32, #tpu.memory_space<vmem>> -> memref<1x128xi32, #tpu.memory_space<vmem>>
    %dma_start3A_165 = tpu.memref_squeeze %dma_start3A_164 : memref<1x128xi32, #tpu.memory_space<vmem>> -> memref<128xi32, #tpu.memory_space<vmem>>
    %dma_start3A_166 = tpu.memref_slice %arg3[%add3A_160] : memref<320000xi32, #tpu.memory_space<hbm>> -> memref<128xi32, #tpu.memory_space<hbm>>
    %dma_start3A_167 = tpu.memref_slice %arg12[%dma_start3A_162] : memref<2x!tpu.dma_semaphore, #tpu.memory_space<semaphore_mem>> -> memref<1x!tpu.dma_semaphore, #tpu.memory_space<semaphore_mem>>
    %dma_start3A_168 = tpu.memref_squeeze %dma_start3A_167 : memref<1x!tpu.dma_semaphore, #tpu.memory_space<semaphore_mem>> -> memref<!tpu.dma_semaphore, #tpu.memory_space<semaphore_mem>>
    %dma_start3A_169 = arith.constant 0 : i32
    %dma_start3A_170 = tpu.memref_slice %arg8[%dma_start3A_161, %dma_start3A_169] : memref<2x128xi32, #tpu.memory_space<vmem>> -> memref<1x128xi32, #tpu.memory_space<vmem>>
    %dma_start3A_171 = tpu.memref_squeeze %dma_start3A_170 : memref<1x128xi32, #tpu.memory_space<vmem>> -> memref<128xi32, #tpu.memory_space<vmem>>
    %dma_start3A_172 = tpu.memref_slice %arg3[%add3A_160] : memref<320000xi32, #tpu.memory_space<hbm>> -> memref<128xi32, #tpu.memory_space<hbm>>
    tpu.enqueue_dma source(%dma_start3A_172 : memref<128xi32, #tpu.memory_space<hbm>>) target(%dma_start3A_171 : memref<128xi32, #tpu.memory_space<vmem>>) target_semaphore(%dma_start3A_168 : memref<!tpu.dma_semaphore, #tpu.memory_space<semaphore_mem>>)
    %mul3A_173 = arith.constant 10000 : i32
    %mul3A_174 = arith.muli %add3A, %mul3A_173 : i32
    %add3A_175 = arith.constant 128 : i32
    %add3A_176 = arith.addi %mul3A_174, %add3A_175 : i32
    %dma_start3A_177 = arith.constant 1 : i32
    %dma_start3A_178 = arith.constant 1 : i32
    %dma_start3A_179 = arith.constant 0 : i32
    %dma_start3A_180 = tpu.memref_slice %arg8[%dma_start3A_177, %dma_start3A_179] : memref<2x128xi32, #tpu.memory_space<vmem>> -> memref<1x128xi32, #tpu.memory_space<vmem>>
    %dma_start3A_181 = tpu.memref_squeeze %dma_start3A_180 : memref<1x128xi32, #tpu.memory_space<vmem>> -> memref<128xi32, #tpu.memory_space<vmem>>
    %dma_start3A_182 = tpu.memref_slice %arg3[%add3A_176] : memref<320000xi32, #tpu.memory_space<hbm>> -> memref<128xi32, #tpu.memory_space<hbm>>
    %dma_start3A_183 = tpu.memref_slice %arg12[%dma_start3A_178] : memref<2x!tpu.dma_semaphore, #tpu.memory_space<semaphore_mem>> -> memref<1x!tpu.dma_semaphore, #tpu.memory_space<semaphore_mem>>
    %dma_start3A_184 = tpu.memref_squeeze %dma_start3A_183 : memref<1x!tpu.dma_semaphore, #tpu.memory_space<semaphore_mem>> -> memref<!tpu.dma_semaphore, #tpu.memory_space<semaphore_mem>>
    %dma_start3A_185 = arith.constant 0 : i32
    %dma_start3A_186 = tpu.memref_slice %arg8[%dma_start3A_177, %dma_start3A_185] : memref<2x128xi32, #tpu.memory_space<vmem>> -> memref<1x128xi32, #tpu.memory_space<vmem>>
    %dma_start3A_187 = tpu.memref_squeeze %dma_start3A_186 : memref<1x128xi32, #tpu.memory_space<vmem>> -> memref<128xi32, #tpu.memory_space<vmem>>
    %dma_start3A_188 = tpu.memref_slice %arg3[%add3A_176] : memref<320000xi32, #tpu.memory_space<hbm>> -> memref<128xi32, #tpu.memory_space<hbm>>
    tpu.enqueue_dma source(%dma_start3A_188 : memref<128xi32, #tpu.memory_space<hbm>>) target(%dma_start3A_187 : memref<128xi32, #tpu.memory_space<vmem>>) target_semaphore(%dma_start3A_184 : memref<!tpu.dma_semaphore, #tpu.memory_space<semaphore_mem>>)
    %scan3A_189 = arith.constant 0 : i32
    %scan3A_190 = arith.constant 0 : i32
    %scan3A_191 = arith.constant 39 : i32
    %scan3A_192 = arith.addi %scan3A_190, %scan3A_191 : i32
    %scan3A_193 = arith.constant 1 : i32
    scf.for %scan3A_240 = %scan3A_190 to %scan3A_192 step %scan3A_193  : i32 {
      %mul3A_241 = arith.constant 1 : i32
      %mul3A_242 = arith.muli %scan3A_240, %mul3A_241 : i32
      %add3A_243 = arith.constant 0 : i32
      %add3A_244 = arith.addi %add3A_243, %mul3A_242 : i32
      %mul3A_245 = arith.constant 2 : i32
      %mul3A_246 = arith.muli %add3A_244, %mul3A_245 : i32
      %dma_wait3A_247 = arith.constant 0 : i32
      %dma_wait3A_248 = arith.constant 0 : i32
      %dma_wait3A_249 = arith.constant 0 : i32
      %dma_wait3A_250 = tpu.memref_slice %arg8[%dma_wait3A_247, %dma_wait3A_249] : memref<2x128xi32, #tpu.memory_space<vmem>> -> memref<1x128xi32, #tpu.memory_space<vmem>>
      %dma_wait3A_251 = tpu.memref_squeeze %dma_wait3A_250 : memref<1x128xi32, #tpu.memory_space<vmem>> -> memref<128xi32, #tpu.memory_space<vmem>>
      %dma_wait3A_252 = arith.constant 0 : i32
      %dma_wait3A_253 = tpu.memref_slice %arg3[%dma_wait3A_252] : memref<320000xi32, #tpu.memory_space<hbm>> -> memref<128xi32, #tpu.memory_space<hbm>>
      %dma_wait3A_254 = tpu.memref_slice %arg12[%dma_wait3A_248] : memref<2x!tpu.dma_semaphore, #tpu.memory_space<semaphore_mem>> -> memref<1x!tpu.dma_semaphore, #tpu.memory_space<semaphore_mem>>
      %dma_wait3A_255 = tpu.memref_squeeze %dma_wait3A_254 : memref<1x!tpu.dma_semaphore, #tpu.memory_space<semaphore_mem>> -> memref<!tpu.dma_semaphore, #tpu.memory_space<semaphore_mem>>
      %dma_wait3A_256 = arith.constant 0 : i32
      %dma_wait3A_257 = tpu.memref_slice %arg8[%dma_wait3A_247, %dma_wait3A_256] : memref<2x128xi32, #tpu.memory_space<vmem>> -> memref<1x128xi32, #tpu.memory_space<vmem>>
      %dma_wait3A_258 = tpu.memref_squeeze %dma_wait3A_257 : memref<1x128xi32, #tpu.memory_space<vmem>> -> memref<128xi32, #tpu.memory_space<vmem>>
      %dma_wait3A_259 = arith.constant 0 : i32
      %dma_wait3A_260 = tpu.memref_slice %arg3[%dma_wait3A_259] : memref<320000xi32, #tpu.memory_space<hbm>> -> memref<128xi32, #tpu.memory_space<hbm>>
      tpu.wait_dma2 semaphore(%dma_wait3A_255 : memref<!tpu.dma_semaphore, #tpu.memory_space<semaphore_mem>>) src(%dma_wait3A_260 : memref<128xi32, #tpu.memory_space<hbm>>) dst(%dma_wait3A_258 : memref<128xi32, #tpu.memory_space<vmem>>)
      %run_scoped3A_261 = arith.constant 0 : i32
      "tpu.region"() ({
        %run_scoped3A_292 = tpu.sem_alloc : memref<!tpu.dma_semaphore, #tpu.memory_space<semaphore_mem>>
        %dma_start3A_293 = arith.constant 0 : i32
        %dma_start3A_294 = arith.constant 0 : i32
        %dma_start3A_295 = tpu.memref_slice %arg10[%scan3A_189, %dma_start3A_293, %dma_start3A_294] : memref<2x128x128xf32, #tpu.memory_space<vmem>> -> memref<1x128x128xf32, #tpu.memory_space<vmem>>
        %dma_start3A_296 = tpu.memref_squeeze %dma_start3A_295 : memref<1x128x128xf32, #tpu.memory_space<vmem>> -> memref<128x128xf32, #tpu.memory_space<vmem>>
        %dma_start3A_297 = arith.constant 0 : i32
        %dma_start3A_298 = tpu.memref_slice %arg8[%run_scoped3A_261, %dma_start3A_297] : memref<2x128xi32, #tpu.memory_space<vmem>> -> memref<1x128xi32, #tpu.memory_space<vmem>>
        %dma_start3A_299 = tpu.memref_squeeze %dma_start3A_298 : memref<1x128xi32, #tpu.memory_space<vmem>> -> memref<128xi32, #tpu.memory_space<vmem>>
        %dma_start3A_300 = arith.constant 0 : i32
        %dma_start3A_301 = arith.constant 0 : i32
        %dma_start3A_302 = tpu.memref_slice %arg14[%dma_start3A_300, %dma_start3A_301] : memref<10000x128xf32, #tpu.memory_space<vmem_shared>> -> memref<10000x128xf32, #tpu.memory_space<vmem_shared>>
        tpu.enqueue_indirect_dma source(%dma_start3A_296 : memref<128x128xf32, #tpu.memory_space<vmem>>) target(%dma_start3A_302 : memref<10000x128xf32, #tpu.memory_space<vmem_shared>>) offsets(%dma_start3A_299 : memref<128xi32, #tpu.memory_space<vmem>>) semaphore(%run_scoped3A_292 : memref<!tpu.dma_semaphore, #tpu.memory_space<semaphore_mem>>) {add = true}
        %dma_wait3A_303 = arith.constant 0 : i32
        %dma_wait3A_304 = arith.constant 0 : i32
        %dma_wait3A_305 = tpu.memref_slice %arg10[%scan3A_189, %dma_wait3A_303, %dma_wait3A_304] : memref<2x128x128xf32, #tpu.memory_space<vmem>> -> memref<1x128x128xf32, #tpu.memory_space<vmem>>
        %dma_wait3A_306 = tpu.memref_squeeze %dma_wait3A_305 : memref<1x128x128xf32, #tpu.memory_space<vmem>> -> memref<128x128xf32, #tpu.memory_space<vmem>>
        %dma_wait3A_307 = arith.constant 0 : i32
        %dma_wait3A_308 = tpu.memref_slice %arg8[%run_scoped3A_261, %dma_wait3A_307] : memref<2x128xi32, #tpu.memory_space<vmem>> -> memref<1x128xi32, #tpu.memory_space<vmem>>
        %dma_wait3A_309 = tpu.memref_squeeze %dma_wait3A_308 : memref<1x128xi32, #tpu.memory_space<vmem>> -> memref<128xi32, #tpu.memory_space<vmem>>
        %dma_wait3A_310 = arith.constant 0 : i32
        %dma_wait3A_311 = arith.constant 0 : i32
        %dma_wait3A_312 = tpu.memref_slice %arg14[%dma_wait3A_310, %dma_wait3A_311] : memref<10000x128xf32, #tpu.memory_space<vmem_shared>> -> memref<10000x128xf32, #tpu.memory_space<vmem_shared>>
        tpu.wait_indirect_dma semaphore(%run_scoped3A_292 : memref<!tpu.dma_semaphore, #tpu.memory_space<semaphore_mem>>) src(%dma_wait3A_306 : memref<128x128xf32, #tpu.memory_space<vmem>>) dst(%dma_wait3A_312 : memref<10000x128xf32, #tpu.memory_space<vmem_shared>>)
        tpu.yield
      }) : () -> ()
      %add3A_262 = arith.constant 0 : i32
      %add3A_263 = arith.addi %mul3A_246, %add3A_262 : i32
      %add3A_264 = arith.constant 2 : i32
      %add3A_265 = arith.addi %add3A_263, %add3A_264 : i32
      %lt3A = arith.constant 78 : i32
      %lt3A_266 = arith.cmpi slt, %add3A_265, %lt3A : i32
      %convert_element_type3A = arith.extui %lt3A_266 : i1 to i32
      %cond3A = arith.constant 0 : i32
      %cond3A_267 = arith.cmpi ne, %convert_element_type3A, %cond3A : i32
      scf.if %cond3A_267 {
        %add3A_292 = arith.constant 0 : i32
        %add3A_293 = arith.addi %mul3A_246, %add3A_292 : i32
        %add3A_294 = arith.constant 2 : i32
        %add3A_295 = arith.addi %add3A_293, %add3A_294 : i32
        %mul3A_296 = arith.constant 10000 : i32
        %mul3A_297 = arith.muli %add3A, %mul3A_296 : i32
        %mul3A_298 = arith.constant 128 : i32
        %mul3A_299 = arith.muli %add3A_295, %mul3A_298 : i32
        %add3A_300 = arith.addi %mul3A_297, %mul3A_299 : i32
        %dma_start3A_301 = arith.constant 0 : i32
        %dma_start3A_302 = arith.constant 0 : i32
        %dma_start3A_303 = arith.constant 0 : i32
        %dma_start3A_304 = tpu.memref_slice %arg8[%dma_start3A_301, %dma_start3A_303] : memref<2x128xi32, #tpu.memory_space<vmem>> -> memref<1x128xi32, #tpu.memory_space<vmem>>
        %dma_start3A_305 = tpu.memref_squeeze %dma_start3A_304 : memref<1x128xi32, #tpu.memory_space<vmem>> -> memref<128xi32, #tpu.memory_space<vmem>>
        %dma_start3A_306 = tpu.memref_slice %arg3[%add3A_300] : memref<320000xi32, #tpu.memory_space<hbm>> -> memref<128xi32, #tpu.memory_space<hbm>>
        %dma_start3A_307 = tpu.memref_slice %arg12[%dma_start3A_302] : memref<2x!tpu.dma_semaphore, #tpu.memory_space<semaphore_mem>> -> memref<1x!tpu.dma_semaphore, #tpu.memory_space<semaphore_mem>>
        %dma_start3A_308 = tpu.memref_squeeze %dma_start3A_307 : memref<1x!tpu.dma_semaphore, #tpu.memory_space<semaphore_mem>> -> memref<!tpu.dma_semaphore, #tpu.memory_space<semaphore_mem>>
        %dma_start3A_309 = arith.constant 0 : i32
        %dma_start3A_310 = tpu.memref_slice %arg8[%dma_start3A_301, %dma_start3A_309] : memref<2x128xi32, #tpu.memory_space<vmem>> -> memref<1x128xi32, #tpu.memory_space<vmem>>
        %dma_start3A_311 = tpu.memref_squeeze %dma_start3A_310 : memref<1x128xi32, #tpu.memory_space<vmem>> -> memref<128xi32, #tpu.memory_space<vmem>>
        %dma_start3A_312 = tpu.memref_slice %arg3[%add3A_300] : memref<320000xi32, #tpu.memory_space<hbm>> -> memref<128xi32, #tpu.memory_space<hbm>>
        tpu.enqueue_dma source(%dma_start3A_312 : memref<128xi32, #tpu.memory_space<hbm>>) target(%dma_start3A_311 : memref<128xi32, #tpu.memory_space<vmem>>) target_semaphore(%dma_start3A_308 : memref<!tpu.dma_semaphore, #tpu.memory_space<semaphore_mem>>)
      } else {
      }
      %dma_wait3A_268 = arith.constant 1 : i32
      %dma_wait3A_269 = arith.constant 1 : i32
      %dma_wait3A_270 = arith.constant 0 : i32
      %dma_wait3A_271 = tpu.memref_slice %arg8[%dma_wait3A_268, %dma_wait3A_270] : memref<2x128xi32, #tpu.memory_space<vmem>> -> memref<1x128xi32, #tpu.memory_space<vmem>>
      %dma_wait3A_272 = tpu.memref_squeeze %dma_wait3A_271 : memref<1x128xi32, #tpu.memory_space<vmem>> -> memref<128xi32, #tpu.memory_space<vmem>>
      %dma_wait3A_273 = arith.constant 0 : i32
      %dma_wait3A_274 = tpu.memref_slice %arg3[%dma_wait3A_273] : memref<320000xi32, #tpu.memory_space<hbm>> -> memref<128xi32, #tpu.memory_space<hbm>>
      %dma_wait3A_275 = tpu.memref_slice %arg12[%dma_wait3A_269] : memref<2x!tpu.dma_semaphore, #tpu.memory_space<semaphore_mem>> -> memref<1x!tpu.dma_semaphore, #tpu.memory_space<semaphore_mem>>
      %dma_wait3A_276 = tpu.memref_squeeze %dma_wait3A_275 : memref<1x!tpu.dma_semaphore, #tpu.memory_space<semaphore_mem>> -> memref<!tpu.dma_semaphore, #tpu.memory_space<semaphore_mem>>
      %dma_wait3A_277 = arith.constant 0 : i32
      %dma_wait3A_278 = tpu.memref_slice %arg8[%dma_wait3A_268, %dma_wait3A_277] : memref<2x128xi32, #tpu.memory_space<vmem>> -> memref<1x128xi32, #tpu.memory_space<vmem>>
      %dma_wait3A_279 = tpu.memref_squeeze %dma_wait3A_278 : memref<1x128xi32, #tpu.memory_space<vmem>> -> memref<128xi32, #tpu.memory_space<vmem>>
      %dma_wait3A_280 = arith.constant 0 : i32
      %dma_wait3A_281 = tpu.memref_slice %arg3[%dma_wait3A_280] : memref<320000xi32, #tpu.memory_space<hbm>> -> memref<128xi32, #tpu.memory_space<hbm>>
      tpu.wait_dma2 semaphore(%dma_wait3A_276 : memref<!tpu.dma_semaphore, #tpu.memory_space<semaphore_mem>>) src(%dma_wait3A_281 : memref<128xi32, #tpu.memory_space<hbm>>) dst(%dma_wait3A_279 : memref<128xi32, #tpu.memory_space<vmem>>)
      %run_scoped3A_282 = arith.constant 1 : i32
      "tpu.region"() ({
        %run_scoped3A_292 = tpu.sem_alloc : memref<!tpu.dma_semaphore, #tpu.memory_space<semaphore_mem>>
        %dma_start3A_293 = arith.constant 0 : i32
        %dma_start3A_294 = arith.constant 0 : i32
        %dma_start3A_295 = tpu.memref_slice %arg10[%scan3A_189, %dma_start3A_293, %dma_start3A_294] : memref<2x128x128xf32, #tpu.memory_space<vmem>> -> memref<1x128x128xf32, #tpu.memory_space<vmem>>
        %dma_start3A_296 = tpu.memref_squeeze %dma_start3A_295 : memref<1x128x128xf32, #tpu.memory_space<vmem>> -> memref<128x128xf32, #tpu.memory_space<vmem>>
        %dma_start3A_297 = arith.constant 0 : i32
        %dma_start3A_298 = tpu.memref_slice %arg8[%run_scoped3A_282, %dma_start3A_297] : memref<2x128xi32, #tpu.memory_space<vmem>> -> memref<1x128xi32, #tpu.memory_space<vmem>>
        %dma_start3A_299 = tpu.memref_squeeze %dma_start3A_298 : memref<1x128xi32, #tpu.memory_space<vmem>> -> memref<128xi32, #tpu.memory_space<vmem>>
        %dma_start3A_300 = arith.constant 0 : i32
        %dma_start3A_301 = arith.constant 0 : i32
        %dma_start3A_302 = tpu.memref_slice %arg14[%dma_start3A_300, %dma_start3A_301] : memref<10000x128xf32, #tpu.memory_space<vmem_shared>> -> memref<10000x128xf32, #tpu.memory_space<vmem_shared>>
        tpu.enqueue_indirect_dma source(%dma_start3A_296 : memref<128x128xf32, #tpu.memory_space<vmem>>) target(%dma_start3A_302 : memref<10000x128xf32, #tpu.memory_space<vmem_shared>>) offsets(%dma_start3A_299 : memref<128xi32, #tpu.memory_space<vmem>>) semaphore(%run_scoped3A_292 : memref<!tpu.dma_semaphore, #tpu.memory_space<semaphore_mem>>) {add = true}
        %dma_wait3A_303 = arith.constant 0 : i32
        %dma_wait3A_304 = arith.constant 0 : i32
        %dma_wait3A_305 = tpu.memref_slice %arg10[%scan3A_189, %dma_wait3A_303, %dma_wait3A_304] : memref<2x128x128xf32, #tpu.memory_space<vmem>> -> memref<1x128x128xf32, #tpu.memory_space<vmem>>
        %dma_wait3A_306 = tpu.memref_squeeze %dma_wait3A_305 : memref<1x128x128xf32, #tpu.memory_space<vmem>> -> memref<128x128xf32, #tpu.memory_space<vmem>>
        %dma_wait3A_307 = arith.constant 0 : i32
        %dma_wait3A_308 = tpu.memref_slice %arg8[%run_scoped3A_282, %dma_wait3A_307] : memref<2x128xi32, #tpu.memory_space<vmem>> -> memref<1x128xi32, #tpu.memory_space<vmem>>
        %dma_wait3A_309 = tpu.memref_squeeze %dma_wait3A_308 : memref<1x128xi32, #tpu.memory_space<vmem>> -> memref<128xi32, #tpu.memory_space<vmem>>
        %dma_wait3A_310 = arith.constant 0 : i32
        %dma_wait3A_311 = arith.constant 0 : i32
        %dma_wait3A_312 = tpu.memref_slice %arg14[%dma_wait3A_310, %dma_wait3A_311] : memref<10000x128xf32, #tpu.memory_space<vmem_shared>> -> memref<10000x128xf32, #tpu.memory_space<vmem_shared>>
        tpu.wait_indirect_dma semaphore(%run_scoped3A_292 : memref<!tpu.dma_semaphore, #tpu.memory_space<semaphore_mem>>) src(%dma_wait3A_306 : memref<128x128xf32, #tpu.memory_space<vmem>>) dst(%dma_wait3A_312 : memref<10000x128xf32, #tpu.memory_space<vmem_shared>>)
        tpu.yield
      }) : () -> ()
      %add3A_283 = arith.constant 1 : i32
      %add3A_284 = arith.addi %mul3A_246, %add3A_283 : i32
      %add3A_285 = arith.constant 2 : i32
      %add3A_286 = arith.addi %add3A_284, %add3A_285 : i32
      %lt3A_287 = arith.constant 78 : i32
      %lt3A_288 = arith.cmpi slt, %add3A_286, %lt3A_287 : i32
      %convert_element_type3A_289 = arith.extui %lt3A_288 : i1 to i32
      %cond3A_290 = arith.constant 0 : i32
      %cond3A_291 = arith.cmpi ne, %convert_element_type3A_289, %cond3A_290 : i32
      scf.if %cond3A_291 {
        %add3A_292 = arith.constant 1 : i32
        %add3A_293 = arith.addi %mul3A_246, %add3A_292 : i32
        %add3A_294 = arith.constant 2 : i32
        %add3A_295 = arith.addi %add3A_293, %add3A_294 : i32
        %mul3A_296 = arith.constant 10000 : i32
        %mul3A_297 = arith.muli %add3A, %mul3A_296 : i32
        %mul3A_298 = arith.constant 128 : i32
        %mul3A_299 = arith.muli %add3A_295, %mul3A_298 : i32
        %add3A_300 = arith.addi %mul3A_297, %mul3A_299 : i32
        %dma_start3A_301 = arith.constant 1 : i32
        %dma_start3A_302 = arith.constant 1 : i32
        %dma_start3A_303 = arith.constant 0 : i32
        %dma_start3A_304 = tpu.memref_slice %arg8[%dma_start3A_301, %dma_start3A_303] : memref<2x128xi32, #tpu.memory_space<vmem>> -> memref<1x128xi32, #tpu.memory_space<vmem>>
        %dma_start3A_305 = tpu.memref_squeeze %dma_start3A_304 : memref<1x128xi32, #tpu.memory_space<vmem>> -> memref<128xi32, #tpu.memory_space<vmem>>
        %dma_start3A_306 = tpu.memref_slice %arg3[%add3A_300] : memref<320000xi32, #tpu.memory_space<hbm>> -> memref<128xi32, #tpu.memory_space<hbm>>
        %dma_start3A_307 = tpu.memref_slice %arg12[%dma_start3A_302] : memref<2x!tpu.dma_semaphore, #tpu.memory_space<semaphore_mem>> -> memref<1x!tpu.dma_semaphore, #tpu.memory_space<semaphore_mem>>
        %dma_start3A_308 = tpu.memref_squeeze %dma_start3A_307 : memref<1x!tpu.dma_semaphore, #tpu.memory_space<semaphore_mem>> -> memref<!tpu.dma_semaphore, #tpu.memory_space<semaphore_mem>>
        %dma_start3A_309 = arith.constant 0 : i32
        %dma_start3A_310 = tpu.memref_slice %arg8[%dma_start3A_301, %dma_start3A_309] : memref<2x128xi32, #tpu.memory_space<vmem>> -> memref<1x128xi32, #tpu.memory_space<vmem>>
        %dma_start3A_311 = tpu.memref_squeeze %dma_start3A_310 : memref<1x128xi32, #tpu.memory_space<vmem>> -> memref<128xi32, #tpu.memory_space<vmem>>
        %dma_start3A_312 = tpu.memref_slice %arg3[%add3A_300] : memref<320000xi32, #tpu.memory_space<hbm>> -> memref<128xi32, #tpu.memory_space<hbm>>
        tpu.enqueue_dma source(%dma_start3A_312 : memref<128xi32, #tpu.memory_space<hbm>>) target(%dma_start3A_311 : memref<128xi32, #tpu.memory_space<vmem>>) target_semaphore(%dma_start3A_308 : memref<!tpu.dma_semaphore, #tpu.memory_space<semaphore_mem>>)
      } else {
      }
    }
    %scan3A_194 = arith.constant 39 : i32
    %mul3A_195 = arith.constant 10000 : i32
    %mul3A_196 = arith.muli %add3A, %mul3A_195 : i32
    %add3A_197 = arith.constant 9984 : i32
    %add3A_198 = arith.addi %mul3A_196, %add3A_197 : i32
    "tpu.region"() ({
      %run_scoped3A_240 = tpu.sem_alloc : memref<!tpu.dma_semaphore, #tpu.memory_space<semaphore_mem>>
      %dma_start3A_241 = tpu.memref_slice %arg3[%add3A_198] : memref<320000xi32, #tpu.memory_space<hbm>> -> memref<16xi32, #tpu.memory_space<hbm>>
      %dma_start3A_242 = tpu.memref_slice %arg3[%add3A_198] : memref<320000xi32, #tpu.memory_space<hbm>> -> memref<16xi32, #tpu.memory_space<hbm>>
      tpu.enqueue_dma source(%dma_start3A_242 : memref<16xi32, #tpu.memory_space<hbm>>) target(%arg9 : memref<16xi32, #tpu.memory_space<vmem>>) target_semaphore(%run_scoped3A_240 : memref<!tpu.dma_semaphore, #tpu.memory_space<semaphore_mem>>)
      %dma_wait3A_243 = tpu.memref_slice %arg3[%add3A_198] : memref<320000xi32, #tpu.memory_space<hbm>> -> memref<16xi32, #tpu.memory_space<hbm>>
      %dma_wait3A_244 = tpu.memref_slice %arg3[%add3A_198] : memref<320000xi32, #tpu.memory_space<hbm>> -> memref<16xi32, #tpu.memory_space<hbm>>
      tpu.wait_dma2 semaphore(%run_scoped3A_240 : memref<!tpu.dma_semaphore, #tpu.memory_space<semaphore_mem>>) src(%dma_wait3A_244 : memref<16xi32, #tpu.memory_space<hbm>>) dst(%arg9 : memref<16xi32, #tpu.memory_space<vmem>>)
      tpu.yield
    }) : () -> ()
    %run_scoped3A_199 = arith.constant 0 : i32
    "tpu.region"() ({
      %run_scoped3A_240 = tpu.sem_alloc : memref<!tpu.dma_semaphore, #tpu.memory_space<semaphore_mem>>
      %dma_start3A_241 = arith.constant 0 : i32
      %dma_start3A_242 = arith.constant 0 : i32
      %dma_start3A_243 = tpu.memref_slice %arg10[%run_scoped3A_199, %dma_start3A_241, %dma_start3A_242] : memref<2x128x128xf32, #tpu.memory_space<vmem>> -> memref<1x16x128xf32, #tpu.memory_space<vmem>>
      %dma_start3A_244 = tpu.memref_squeeze %dma_start3A_243 : memref<1x16x128xf32, #tpu.memory_space<vmem>> -> memref<16x128xf32, #tpu.memory_space<vmem>>
      %dma_start3A_245 = arith.constant 0 : i32
      %dma_start3A_246 = arith.constant 0 : i32
      %dma_start3A_247 = tpu.memref_slice %arg14[%dma_start3A_245, %dma_start3A_246] : memref<10000x128xf32, #tpu.memory_space<vmem_shared>> -> memref<10000x128xf32, #tpu.memory_space<vmem_shared>>
      tpu.enqueue_indirect_dma source(%dma_start3A_244 : memref<16x128xf32, #tpu.memory_space<vmem>>) target(%dma_start3A_247 : memref<10000x128xf32, #tpu.memory_space<vmem_shared>>) offsets(%arg9 : memref<16xi32, #tpu.memory_space<vmem>>) semaphore(%run_scoped3A_240 : memref<!tpu.dma_semaphore, #tpu.memory_space<semaphore_mem>>) {add = true}
      %dma_wait3A_248 = arith.constant 0 : i32
      %dma_wait3A_249 = arith.constant 0 : i32
      %dma_wait3A_250 = tpu.memref_slice %arg10[%run_scoped3A_199, %dma_wait3A_248, %dma_wait3A_249] : memref<2x128x128xf32, #tpu.memory_space<vmem>> -> memref<1x16x128xf32, #tpu.memory_space<vmem>>
      %dma_wait3A_251 = tpu.memref_squeeze %dma_wait3A_250 : memref<1x16x128xf32, #tpu.memory_space<vmem>> -> memref<16x128xf32, #tpu.memory_space<vmem>>
      %dma_wait3A_252 = arith.constant 0 : i32
      %dma_wait3A_253 = arith.constant 0 : i32
      %dma_wait3A_254 = tpu.memref_slice %arg14[%dma_wait3A_252, %dma_wait3A_253] : memref<10000x128xf32, #tpu.memory_space<vmem_shared>> -> memref<10000x128xf32, #tpu.memory_space<vmem_shared>>
      tpu.wait_indirect_dma semaphore(%run_scoped3A_240 : memref<!tpu.dma_semaphore, #tpu.memory_space<semaphore_mem>>) src(%dma_wait3A_251 : memref<16x128xf32, #tpu.memory_space<vmem>>) dst(%dma_wait3A_254 : memref<10000x128xf32, #tpu.memory_space<vmem_shared>>)
      tpu.yield
    }) : () -> ()
    %barrier3A_200 = arith.constant 0 : index
    tpu.barrier barrier_id(%barrier3A_200)
    %scan3A_201 = arith.constant 0 : i32
    %scan3A_202 = arith.constant 4 : i32
    %scan3A_203 = arith.addi %scan3A_201, %scan3A_202 : i32
    %scan3A_204 = arith.constant 1 : i32
    scf.for %scan3A_240 = %scan3A_201 to %scan3A_203 step %scan3A_204  : i32 {
      %mul3A_241 = arith.constant 2 : i32
      %mul3A_242 = arith.muli %scan3A_240, %mul3A_241 : i32
      %add3A_243 = arith.constant 0 : i32
      %add3A_244 = arith.addi %add3A_243, %mul3A_242 : i32
      %add3A_245 = arith.constant 0 : i32
      %add3A_246 = arith.addi %add3A_244, %add3A_245 : i32
      %mul3A_247 = arith.constant 16 : i32
      %mul3A_248 = arith.muli %add3A_246, %mul3A_247 : i32
      %add3A_249 = arith.addi %mul3A_248, %arg1 : i32
      %lt3A = arith.constant 125 : i32
      %lt3A_250 = arith.cmpi slt, %add3A_249, %lt3A : i32
      %convert_element_type3A = arith.extui %lt3A_250 : i1 to i32
      %cond3A = arith.constant 0 : i32
      %cond3A_251 = arith.cmpi ne, %convert_element_type3A, %cond3A : i32
      scf.if %cond3A_251 {
        %ge3A = arith.constant 2 : i32
        %ge3A_262 = arith.cmpi sge, %add3A_246, %ge3A : i32
        %convert_element_type3A_263 = arith.extui %ge3A_262 : i1 to i32
        %cond3A_264 = arith.constant 0 : i32
        %cond3A_265 = arith.cmpi ne, %convert_element_type3A_263, %cond3A_264 : i32
        scf.if %cond3A_265 {
          %dma_wait3A_284 = arith.constant 0 : i32
          %dma_wait3A_285 = arith.constant 0 : i32
          %dma_wait3A_286 = arith.constant 0 : i32
          %dma_wait3A_287 = tpu.memref_slice %arg10[%dma_wait3A_284, %dma_wait3A_285, %dma_wait3A_286] : memref<2x128x128xf32, #tpu.memory_space<vmem>> -> memref<1x80x128xf32, #tpu.memory_space<vmem>>
          %dma_wait3A_288 = tpu.memref_squeeze %dma_wait3A_287 : memref<1x80x128xf32, #tpu.memory_space<vmem>> -> memref<80x128xf32, #tpu.memory_space<vmem>>
          %dma_wait3A_289 = arith.constant 0 : i32
          %dma_wait3A_290 = arith.constant 0 : i32
          %dma_wait3A_291 = tpu.memref_slice %arg6[%arg0, %dma_wait3A_289, %dma_wait3A_290] : memref<2x10000x128xf32, #tpu.memory_space<hbm>> -> memref<1x80x128xf32, #tpu.memory_space<hbm>>
          %dma_wait3A_292 = tpu.memref_squeeze %dma_wait3A_291 : memref<1x80x128xf32, #tpu.memory_space<hbm>> -> memref<80x128xf32, #tpu.memory_space<hbm>>
          %dma_wait3A_293 = arith.constant 0 : i32
          %dma_wait3A_294 = arith.constant 0 : i32
          %dma_wait3A_295 = tpu.memref_slice %arg6[%arg0, %dma_wait3A_293, %dma_wait3A_294] : memref<2x10000x128xf32, #tpu.memory_space<hbm>> -> memref<1x80x128xf32, #tpu.memory_space<hbm>>
          %dma_wait3A_296 = tpu.memref_squeeze %dma_wait3A_295 : memref<1x80x128xf32, #tpu.memory_space<hbm>> -> memref<80x128xf32, #tpu.memory_space<hbm>>
          %dma_wait3A_297 = arith.constant 0 : i32
          %dma_wait3A_298 = arith.constant 0 : i32
          %dma_wait3A_299 = tpu.memref_slice %arg10[%dma_wait3A_284, %dma_wait3A_297, %dma_wait3A_298] : memref<2x128x128xf32, #tpu.memory_space<vmem>> -> memref<1x80x128xf32, #tpu.memory_space<vmem>>
          %dma_wait3A_300 = tpu.memref_squeeze %dma_wait3A_299 : memref<1x80x128xf32, #tpu.memory_space<vmem>> -> memref<80x128xf32, #tpu.memory_space<vmem>>
          tpu.wait_dma2 semaphore(%arg13 : memref<!tpu.dma_semaphore, #tpu.memory_space<semaphore_mem>>) src(%dma_wait3A_300 : memref<80x128xf32, #tpu.memory_space<vmem>>) dst(%dma_wait3A_296 : memref<80x128xf32, #tpu.memory_space<hbm>>)
        } else {
        }
        %mul3A_266 = arith.constant 80 : i32
        %mul3A_267 = arith.muli %add3A_249, %mul3A_266 : i32
        %run_scoped3A_268 = arith.constant 0 : i32
        "tpu.region"() ({
          %run_scoped3A_284 = tpu.sem_alloc : memref<!tpu.dma_semaphore, #tpu.memory_space<semaphore_mem>>
          %dma_start3A_285 = arith.constant 0 : i32
          %dma_start3A_286 = arith.constant 0 : i32
          %dma_start3A_287 = tpu.memref_slice %arg10[%run_scoped3A_268, %dma_start3A_285, %dma_start3A_286] : memref<2x128x128xf32, #tpu.memory_space<vmem>> -> memref<1x80x128xf32, #tpu.memory_space<vmem>>
          %dma_start3A_288 = tpu.memref_squeeze %dma_start3A_287 : memref<1x80x128xf32, #tpu.memory_space<vmem>> -> memref<80x128xf32, #tpu.memory_space<vmem>>
          %dma_start3A_289 = arith.constant 0 : i32
          %dma_start3A_290 = tpu.memref_slice %arg14[%mul3A_267, %dma_start3A_289] : memref<10000x128xf32, #tpu.memory_space<vmem_shared>> -> memref<80x128xf32, #tpu.memory_space<vmem_shared>>
          %dma_start3A_291 = arith.constant 0 : i32
          %dma_start3A_292 = arith.constant 0 : i32
          %dma_start3A_293 = tpu.memref_slice %arg10[%run_scoped3A_268, %dma_start3A_291, %dma_start3A_292] : memref<2x128x128xf32, #tpu.memory_space<vmem>> -> memref<1x80x128xf32, #tpu.memory_space<vmem>>
          %dma_start3A_294 = tpu.memref_squeeze %dma_start3A_293 : memref<1x80x128xf32, #tpu.memory_space<vmem>> -> memref<80x128xf32, #tpu.memory_space<vmem>>
          %dma_start3A_295 = arith.constant 0 : i32
          %dma_start3A_296 = tpu.memref_slice %arg14[%mul3A_267, %dma_start3A_295] : memref<10000x128xf32, #tpu.memory_space<vmem_shared>> -> memref<80x128xf32, #tpu.memory_space<vmem_shared>>
          tpu.enqueue_dma source(%dma_start3A_296 : memref<80x128xf32, #tpu.memory_space<vmem_shared>>) target(%dma_start3A_294 : memref<80x128xf32, #tpu.memory_space<vmem>>) target_semaphore(%run_scoped3A_284 : memref<!tpu.dma_semaphore, #tpu.memory_space<semaphore_mem>>)
          %dma_wait3A_297 = arith.constant 0 : i32
          %dma_wait3A_298 = arith.constant 0 : i32
          %dma_wait3A_299 = tpu.memref_slice %arg10[%run_scoped3A_268, %dma_wait3A_297, %dma_wait3A_298] : memref<2x128x128xf32, #tpu.memory_space<vmem>> -> memref<1x80x128xf32, #tpu.memory_space<vmem>>
          %dma_wait3A_300 = tpu.memref_squeeze %dma_wait3A_299 : memref<1x80x128xf32, #tpu.memory_space<vmem>> -> memref<80x128xf32, #tpu.memory_space<vmem>>
          %dma_wait3A_301 = arith.constant 0 : i32
          %dma_wait3A_302 = tpu.memref_slice %arg14[%mul3A_267, %dma_wait3A_301] : memref<10000x128xf32, #tpu.memory_space<vmem_shared>> -> memref<80x128xf32, #tpu.memory_space<vmem_shared>>
          %dma_wait3A_303 = arith.constant 0 : i32
          %dma_wait3A_304 = arith.constant 0 : i32
          %dma_wait3A_305 = tpu.memref_slice %arg10[%run_scoped3A_268, %dma_wait3A_303, %dma_wait3A_304] : memref<2x128x128xf32, #tpu.memory_space<vmem>> -> memref<1x80x128xf32, #tpu.memory_space<vmem>>
          %dma_wait3A_306 = tpu.memref_squeeze %dma_wait3A_305 : memref<1x80x128xf32, #tpu.memory_space<vmem>> -> memref<80x128xf32, #tpu.memory_space<vmem>>
          %dma_wait3A_307 = arith.constant 0 : i32
          %dma_wait3A_308 = tpu.memref_slice %arg14[%mul3A_267, %dma_wait3A_307] : memref<10000x128xf32, #tpu.memory_space<vmem_shared>> -> memref<80x128xf32, #tpu.memory_space<vmem_shared>>
          tpu.wait_dma2 semaphore(%run_scoped3A_284 : memref<!tpu.dma_semaphore, #tpu.memory_space<semaphore_mem>>) src(%dma_wait3A_308 : memref<80x128xf32, #tpu.memory_space<vmem_shared>>) dst(%dma_wait3A_306 : memref<80x128xf32, #tpu.memory_space<vmem>>)
          tpu.yield
        }) : () -> ()
        %dma_start3A_269 = arith.constant 0 : i32
        %dma_start3A_270 = arith.constant 0 : i32
        %dma_start3A_271 = arith.constant 0 : i32
        %dma_start3A_272 = tpu.memref_slice %arg10[%dma_start3A_269, %dma_start3A_270, %dma_start3A_271] : memref<2x128x128xf32, #tpu.memory_space<vmem>> -> memref<1x80x128xf32, #tpu.memory_space<vmem>>
        %dma_start3A_273 = tpu.memref_squeeze %dma_start3A_272 : memref<1x80x128xf32, #tpu.memory_space<vmem>> -> memref<80x128xf32, #tpu.memory_space<vmem>>
        %dma_start3A_274 = arith.constant 0 : i32
        %dma_start3A_275 = tpu.memref_slice %arg6[%arg0, %mul3A_267, %dma_start3A_274] : memref<2x10000x128xf32, #tpu.memory_space<hbm>> -> memref<1x80x128xf32, #tpu.memory_space<hbm>>
        %dma_start3A_276 = tpu.memref_squeeze %dma_start3A_275 : memref<1x80x128xf32, #tpu.memory_space<hbm>> -> memref<80x128xf32, #tpu.memory_space<hbm>>
        %dma_start3A_277 = arith.constant 0 : i32
        %dma_start3A_278 = tpu.memref_slice %arg6[%arg0, %mul3A_267, %dma_start3A_277] : memref<2x10000x128xf32, #tpu.memory_space<hbm>> -> memref<1x80x128xf32, #tpu.memory_space<hbm>>
        %dma_start3A_279 = tpu.memref_squeeze %dma_start3A_278 : memref<1x80x128xf32, #tpu.memory_space<hbm>> -> memref<80x128xf32, #tpu.memory_space<hbm>>
        %dma_start3A_280 = arith.constant 0 : i32
        %dma_start3A_281 = arith.constant 0 : i32
        %dma_start3A_282 = tpu.memref_slice %arg10[%dma_start3A_269, %dma_start3A_280, %dma_start3A_281] : memref<2x128x128xf32, #tpu.memory_space<vmem>> -> memref<1x80x128xf32, #tpu.memory_space<vmem>>
        %dma_start3A_283 = tpu.memref_squeeze %dma_start3A_282 : memref<1x80x128xf32, #tpu.memory_space<vmem>> -> memref<80x128xf32, #tpu.memory_space<vmem>>
        tpu.enqueue_dma source(%dma_start3A_283 : memref<80x128xf32, #tpu.memory_space<vmem>>) target(%dma_start3A_279 : memref<80x128xf32, #tpu.memory_space<hbm>>) target_semaphore(%arg13 : memref<!tpu.dma_semaphore, #tpu.memory_space<semaphore_mem>>)
      } else {
      }
      %add3A_252 = arith.constant 1 : i32
      %add3A_253 = arith.addi %add3A_244, %add3A_252 : i32
      %mul3A_254 = arith.constant 16 : i32
      %mul3A_255 = arith.muli %add3A_253, %mul3A_254 : i32
      %add3A_256 = arith.addi %mul3A_255, %arg1 : i32
      %lt3A_257 = arith.constant 125 : i32
      %lt3A_258 = arith.cmpi slt, %add3A_256, %lt3A_257 : i32
      %convert_element_type3A_259 = arith.extui %lt3A_258 : i1 to i32
      %cond3A_260 = arith.constant 0 : i32
      %cond3A_261 = arith.cmpi ne, %convert_element_type3A_259, %cond3A_260 : i32
      scf.if %cond3A_261 {
        %ge3A = arith.constant 2 : i32
        %ge3A_262 = arith.cmpi sge, %add3A_253, %ge3A : i32
        %convert_element_type3A_263 = arith.extui %ge3A_262 : i1 to i32
        %cond3A_264 = arith.constant 0 : i32
        %cond3A_265 = arith.cmpi ne, %convert_element_type3A_263, %cond3A_264 : i32
        scf.if %cond3A_265 {
          %dma_wait3A_284 = arith.constant 1 : i32
          %dma_wait3A_285 = arith.constant 0 : i32
          %dma_wait3A_286 = arith.constant 0 : i32
          %dma_wait3A_287 = tpu.memref_slice %arg10[%dma_wait3A_284, %dma_wait3A_285, %dma_wait3A_286] : memref<2x128x128xf32, #tpu.memory_space<vmem>> -> memref<1x80x128xf32, #tpu.memory_space<vmem>>
          %dma_wait3A_288 = tpu.memref_squeeze %dma_wait3A_287 : memref<1x80x128xf32, #tpu.memory_space<vmem>> -> memref<80x128xf32, #tpu.memory_space<vmem>>
          %dma_wait3A_289 = arith.constant 0 : i32
          %dma_wait3A_290 = arith.constant 0 : i32
          %dma_wait3A_291 = tpu.memref_slice %arg6[%arg0, %dma_wait3A_289, %dma_wait3A_290] : memref<2x10000x128xf32, #tpu.memory_space<hbm>> -> memref<1x80x128xf32, #tpu.memory_space<hbm>>
          %dma_wait3A_292 = tpu.memref_squeeze %dma_wait3A_291 : memref<1x80x128xf32, #tpu.memory_space<hbm>> -> memref<80x128xf32, #tpu.memory_space<hbm>>
          %dma_wait3A_293 = arith.constant 0 : i32
          %dma_wait3A_294 = arith.constant 0 : i32
          %dma_wait3A_295 = tpu.memref_slice %arg6[%arg0, %dma_wait3A_293, %dma_wait3A_294] : memref<2x10000x128xf32, #tpu.memory_space<hbm>> -> memref<1x80x128xf32, #tpu.memory_space<hbm>>
          %dma_wait3A_296 = tpu.memref_squeeze %dma_wait3A_295 : memref<1x80x128xf32, #tpu.memory_space<hbm>> -> memref<80x128xf32, #tpu.memory_space<hbm>>
          %dma_wait3A_297 = arith.constant 0 : i32
          %dma_wait3A_298 = arith.constant 0 : i32
          %dma_wait3A_299 = tpu.memref_slice %arg10[%dma_wait3A_284, %dma_wait3A_297, %dma_wait3A_298] : memref<2x128x128xf32, #tpu.memory_space<vmem>> -> memref<1x80x128xf32, #tpu.memory_space<vmem>>
          %dma_wait3A_300 = tpu.memref_squeeze %dma_wait3A_299 : memref<1x80x128xf32, #tpu.memory_space<vmem>> -> memref<80x128xf32, #tpu.memory_space<vmem>>
          tpu.wait_dma2 semaphore(%arg13 : memref<!tpu.dma_semaphore, #tpu.memory_space<semaphore_mem>>) src(%dma_wait3A_300 : memref<80x128xf32, #tpu.memory_space<vmem>>) dst(%dma_wait3A_296 : memref<80x128xf32, #tpu.memory_space<hbm>>)
        } else {
        }
        %mul3A_266 = arith.constant 80 : i32
        %mul3A_267 = arith.muli %add3A_256, %mul3A_266 : i32
        %run_scoped3A_268 = arith.constant 1 : i32
        "tpu.region"() ({
          %run_scoped3A_284 = tpu.sem_alloc : memref<!tpu.dma_semaphore, #tpu.memory_space<semaphore_mem>>
          %dma_start3A_285 = arith.constant 0 : i32
          %dma_start3A_286 = arith.constant 0 : i32
          %dma_start3A_287 = tpu.memref_slice %arg10[%run_scoped3A_268, %dma_start3A_285, %dma_start3A_286] : memref<2x128x128xf32, #tpu.memory_space<vmem>> -> memref<1x80x128xf32, #tpu.memory_space<vmem>>
          %dma_start3A_288 = tpu.memref_squeeze %dma_start3A_287 : memref<1x80x128xf32, #tpu.memory_space<vmem>> -> memref<80x128xf32, #tpu.memory_space<vmem>>
          %dma_start3A_289 = arith.constant 0 : i32
          %dma_start3A_290 = tpu.memref_slice %arg14[%mul3A_267, %dma_start3A_289] : memref<10000x128xf32, #tpu.memory_space<vmem_shared>> -> memref<80x128xf32, #tpu.memory_space<vmem_shared>>
          %dma_start3A_291 = arith.constant 0 : i32
          %dma_start3A_292 = arith.constant 0 : i32
          %dma_start3A_293 = tpu.memref_slice %arg10[%run_scoped3A_268, %dma_start3A_291, %dma_start3A_292] : memref<2x128x128xf32, #tpu.memory_space<vmem>> -> memref<1x80x128xf32, #tpu.memory_space<vmem>>
          %dma_start3A_294 = tpu.memref_squeeze %dma_start3A_293 : memref<1x80x128xf32, #tpu.memory_space<vmem>> -> memref<80x128xf32, #tpu.memory_space<vmem>>
          %dma_start3A_295 = arith.constant 0 : i32
          %dma_start3A_296 = tpu.memref_slice %arg14[%mul3A_267, %dma_start3A_295] : memref<10000x128xf32, #tpu.memory_space<vmem_shared>> -> memref<80x128xf32, #tpu.memory_space<vmem_shared>>
          tpu.enqueue_dma source(%dma_start3A_296 : memref<80x128xf32, #tpu.memory_space<vmem_shared>>) target(%dma_start3A_294 : memref<80x128xf32, #tpu.memory_space<vmem>>) target_semaphore(%run_scoped3A_284 : memref<!tpu.dma_semaphore, #tpu.memory_space<semaphore_mem>>)
          %dma_wait3A_297 = arith.constant 0 : i32
          %dma_wait3A_298 = arith.constant 0 : i32
          %dma_wait3A_299 = tpu.memref_slice %arg10[%run_scoped3A_268, %dma_wait3A_297, %dma_wait3A_298] : memref<2x128x128xf32, #tpu.memory_space<vmem>> -> memref<1x80x128xf32, #tpu.memory_space<vmem>>
          %dma_wait3A_300 = tpu.memref_squeeze %dma_wait3A_299 : memref<1x80x128xf32, #tpu.memory_space<vmem>> -> memref<80x128xf32, #tpu.memory_space<vmem>>
          %dma_wait3A_301 = arith.constant 0 : i32
          %dma_wait3A_302 = tpu.memref_slice %arg14[%mul3A_267, %dma_wait3A_301] : memref<10000x128xf32, #tpu.memory_space<vmem_shared>> -> memref<80x128xf32, #tpu.memory_space<vmem_shared>>
          %dma_wait3A_303 = arith.constant 0 : i32
          %dma_wait3A_304 = arith.constant 0 : i32
          %dma_wait3A_305 = tpu.memref_slice %arg10[%run_scoped3A_268, %dma_wait3A_303, %dma_wait3A_304] : memref<2x128x128xf32, #tpu.memory_space<vmem>> -> memref<1x80x128xf32, #tpu.memory_space<vmem>>
          %dma_wait3A_306 = tpu.memref_squeeze %dma_wait3A_305 : memref<1x80x128xf32, #tpu.memory_space<vmem>> -> memref<80x128xf32, #tpu.memory_space<vmem>>
          %dma_wait3A_307 = arith.constant 0 : i32
          %dma_wait3A_308 = tpu.memref_slice %arg14[%mul3A_267, %dma_wait3A_307] : memref<10000x128xf32, #tpu.memory_space<vmem_shared>> -> memref<80x128xf32, #tpu.memory_space<vmem_shared>>
          tpu.wait_dma2 semaphore(%run_scoped3A_284 : memref<!tpu.dma_semaphore, #tpu.memory_space<semaphore_mem>>) src(%dma_wait3A_308 : memref<80x128xf32, #tpu.memory_space<vmem_shared>>) dst(%dma_wait3A_306 : memref<80x128xf32, #tpu.memory_space<vmem>>)
          tpu.yield
        }) : () -> ()
        %dma_start3A_269 = arith.constant 1 : i32
        %dma_start3A_270 = arith.constant 0 : i32
        %dma_start3A_271 = arith.constant 0 : i32
        %dma_start3A_272 = tpu.memref_slice %arg10[%dma_start3A_269, %dma_start3A_270, %dma_start3A_271] : memref<2x128x128xf32, #tpu.memory_space<vmem>> -> memref<1x80x128xf32, #tpu.memory_space<vmem>>
        %dma_start3A_273 = tpu.memref_squeeze %dma_start3A_272 : memref<1x80x128xf32, #tpu.memory_space<vmem>> -> memref<80x128xf32, #tpu.memory_space<vmem>>
        %dma_start3A_274 = arith.constant 0 : i32
        %dma_start3A_275 = tpu.memref_slice %arg6[%arg0, %mul3A_267, %dma_start3A_274] : memref<2x10000x128xf32, #tpu.memory_space<hbm>> -> memref<1x80x128xf32, #tpu.memory_space<hbm>>
        %dma_start3A_276 = tpu.memref_squeeze %dma_start3A_275 : memref<1x80x128xf32, #tpu.memory_space<hbm>> -> memref<80x128xf32, #tpu.memory_space<hbm>>
        %dma_start3A_277 = arith.constant 0 : i32
        %dma_start3A_278 = tpu.memref_slice %arg6[%arg0, %mul3A_267, %dma_start3A_277] : memref<2x10000x128xf32, #tpu.memory_space<hbm>> -> memref<1x80x128xf32, #tpu.memory_space<hbm>>
        %dma_start3A_279 = tpu.memref_squeeze %dma_start3A_278 : memref<1x80x128xf32, #tpu.memory_space<hbm>> -> memref<80x128xf32, #tpu.memory_space<hbm>>
        %dma_start3A_280 = arith.constant 0 : i32
        %dma_start3A_281 = arith.constant 0 : i32
        %dma_start3A_282 = tpu.memref_slice %arg10[%dma_start3A_269, %dma_start3A_280, %dma_start3A_281] : memref<2x128x128xf32, #tpu.memory_space<vmem>> -> memref<1x80x128xf32, #tpu.memory_space<vmem>>
        %dma_start3A_283 = tpu.memref_squeeze %dma_start3A_282 : memref<1x80x128xf32, #tpu.memory_space<vmem>> -> memref<80x128xf32, #tpu.memory_space<vmem>>
        tpu.enqueue_dma source(%dma_start3A_283 : memref<80x128xf32, #tpu.memory_space<vmem>>) target(%dma_start3A_279 : memref<80x128xf32, #tpu.memory_space<hbm>>) target_semaphore(%arg13 : memref<!tpu.dma_semaphore, #tpu.memory_space<semaphore_mem>>)
      } else {
      }
    }
    %scan3A_205 = arith.constant 4 : i32
    %dma_wait3A_206 = arith.constant 0 : i32
    %dma_wait3A_207 = arith.constant 0 : i32
    %dma_wait3A_208 = arith.constant 0 : i32
    %dma_wait3A_209 = tpu.memref_slice %arg10[%dma_wait3A_206, %dma_wait3A_207, %dma_wait3A_208] : memref<2x128x128xf32, #tpu.memory_space<vmem>> -> memref<1x80x128xf32, #tpu.memory_space<vmem>>
    %dma_wait3A_210 = tpu.memref_squeeze %dma_wait3A_209 : memref<1x80x128xf32, #tpu.memory_space<vmem>> -> memref<80x128xf32, #tpu.memory_space<vmem>>
    %dma_wait3A_211 = arith.constant 0 : i32
    %dma_wait3A_212 = arith.constant 0 : i32
    %dma_wait3A_213 = tpu.memref_slice %arg6[%arg0, %dma_wait3A_211, %dma_wait3A_212] : memref<2x10000x128xf32, #tpu.memory_space<hbm>> -> memref<1x80x128xf32, #tpu.memory_space<hbm>>
    %dma_wait3A_214 = tpu.memref_squeeze %dma_wait3A_213 : memref<1x80x128xf32, #tpu.memory_space<hbm>> -> memref<80x128xf32, #tpu.memory_space<hbm>>
    %dma_wait3A_215 = arith.constant 0 : i32
    %dma_wait3A_216 = arith.constant 0 : i32
    %dma_wait3A_217 = tpu.memref_slice %arg6[%arg0, %dma_wait3A_215, %dma_wait3A_216] : memref<2x10000x128xf32, #tpu.memory_space<hbm>> -> memref<1x80x128xf32, #tpu.memory_space<hbm>>
    %dma_wait3A_218 = tpu.memref_squeeze %dma_wait3A_217 : memref<1x80x128xf32, #tpu.memory_space<hbm>> -> memref<80x128xf32, #tpu.memory_space<hbm>>
    %dma_wait3A_219 = arith.constant 0 : i32
    %dma_wait3A_220 = arith.constant 0 : i32
    %dma_wait3A_221 = tpu.memref_slice %arg10[%dma_wait3A_206, %dma_wait3A_219, %dma_wait3A_220] : memref<2x128x128xf32, #tpu.memory_space<vmem>> -> memref<1x80x128xf32, #tpu.memory_space<vmem>>
    %dma_wait3A_222 = tpu.memref_squeeze %dma_wait3A_221 : memref<1x80x128xf32, #tpu.memory_space<vmem>> -> memref<80x128xf32, #tpu.memory_space<vmem>>
    tpu.wait_dma2 semaphore(%arg13 : memref<!tpu.dma_semaphore, #tpu.memory_space<semaphore_mem>>) src(%dma_wait3A_222 : memref<80x128xf32, #tpu.memory_space<vmem>>) dst(%dma_wait3A_218 : memref<80x128xf32, #tpu.memory_space<hbm>>)
    %dma_wait3A_223 = arith.constant 1 : i32
    %dma_wait3A_224 = arith.constant 0 : i32
    %dma_wait3A_225 = arith.constant 0 : i32
    %dma_wait3A_226 = tpu.memref_slice %arg10[%dma_wait3A_223, %dma_wait3A_224, %dma_wait3A_225] : memref<2x128x128xf32, #tpu.memory_space<vmem>> -> memref<1x80x128xf32, #tpu.memory_space<vmem>>
    %dma_wait3A_227 = tpu.memref_squeeze %dma_wait3A_226 : memref<1x80x128xf32, #tpu.memory_space<vmem>> -> memref<80x128xf32, #tpu.memory_space<vmem>>
    %dma_wait3A_228 = arith.constant 0 : i32
    %dma_wait3A_229 = arith.constant 0 : i32
    %dma_wait3A_230 = tpu.memref_slice %arg6[%arg0, %dma_wait3A_228, %dma_wait3A_229] : memref<2x10000x128xf32, #tpu.memory_space<hbm>> -> memref<1x80x128xf32, #tpu.memory_space<hbm>>
    %dma_wait3A_231 = tpu.memref_squeeze %dma_wait3A_230 : memref<1x80x128xf32, #tpu.memory_space<hbm>> -> memref<80x128xf32, #tpu.memory_space<hbm>>
    %dma_wait3A_232 = arith.constant 0 : i32
    %dma_wait3A_233 = arith.constant 0 : i32
    %dma_wait3A_234 = tpu.memref_slice %arg6[%arg0, %dma_wait3A_232, %dma_wait3A_233] : memref<2x10000x128xf32, #tpu.memory_space<hbm>> -> memref<1x80x128xf32, #tpu.memory_space<hbm>>
    %dma_wait3A_235 = tpu.memref_squeeze %dma_wait3A_234 : memref<1x80x128xf32, #tpu.memory_space<hbm>> -> memref<80x128xf32, #tpu.memory_space<hbm>>
    %dma_wait3A_236 = arith.constant 0 : i32
    %dma_wait3A_237 = arith.constant 0 : i32
    %dma_wait3A_238 = tpu.memref_slice %arg10[%dma_wait3A_223, %dma_wait3A_236, %dma_wait3A_237] : memref<2x128x128xf32, #tpu.memory_space<vmem>> -> memref<1x80x128xf32, #tpu.memory_space<vmem>>
    %dma_wait3A_239 = tpu.memref_squeeze %dma_wait3A_238 : memref<1x80x128xf32, #tpu.memory_space<vmem>> -> memref<80x128xf32, #tpu.memory_space<vmem>>
    tpu.wait_dma2 semaphore(%arg13 : memref<!tpu.dma_semaphore, #tpu.memory_space<semaphore_mem>>) src(%dma_wait3A_239 : memref<80x128xf32, #tpu.memory_space<vmem>>) dst(%dma_wait3A_235 : memref<80x128xf32, #tpu.memory_space<hbm>>)
    return
  }
}

module attributes {stable_mosaic.version = 14 : i64} {
  func.func @body(%arg0: i32, %arg1: memref<2000x128xf32, #tpu.memory_space<vmem>>, %arg2: memref<2x2000x128xf32, #tpu.memory_space<vmem>>, %arg3: memref<2x2000x128xf32, #tpu.memory_space<vmem>>, %arg4: memref<128x128xf32, #tpu.memory_space<vmem>>, %arg5: memref<128x128xf32, #tpu.memory_space<vmem>>, %arg6: memref<2000x128xf32, #tpu.memory_space<vmem>>) attributes {dimension_semantics = [#tpu.dimension_semantics<arbitrary>], iteration_bounds = array<i64: 5>, scalar_prefetch = 0 : i64, scratch_operands = 0 : i64, tpu.core_type = #tpu.core_type<tc>, window_params = [{transform_indices = @transform_0, window_bounds = array<i64: 2000, 128>}, {transform_indices = @transform_1, window_bounds = array<i64: 2, 2000, 128>}, {transform_indices = @transform_2, window_bounds = array<i64: 2, 2000, 128>}, {pipeline_mode = #tpu.pipeline_mode<synchronous>, transform_indices = @transform_3, window_bounds = array<i64: 128, 128>}, {pipeline_mode = #tpu.pipeline_mode<synchronous>, transform_indices = @transform_4, window_bounds = array<i64: 128, 128>}, {transform_indices = @transform_5, window_bounds = array<i64: 2000, 128>}]} {
    %get3A = arith.constant 0 : index
    %get3A_0 = arith.constant 0 : index
    %get3A_1 = arith.constant 0 : index
    %get3A_2 = vector.load %arg2[%get3A, %get3A_0, %get3A_1] : memref<2x2000x128xf32, #tpu.memory_space<vmem>>, vector<1x2000x128xf32>
    %get3A_3 = vector.shape_cast %get3A_2 : vector<1x2000x128xf32> to vector<2000x128xf32>
    %get3A_4 = arith.constant 1 : index
    %get3A_5 = arith.constant 0 : index
    %get3A_6 = arith.constant 0 : index
    %get3A_7 = vector.load %arg2[%get3A_4, %get3A_5, %get3A_6] : memref<2x2000x128xf32, #tpu.memory_space<vmem>>, vector<1x2000x128xf32>
    %get3A_8 = vector.shape_cast %get3A_7 : vector<1x2000x128xf32> to vector<2000x128xf32>
    %add3A = arith.addf %get3A_3, %get3A_8 : vector<2000x128xf32>
    %get3A_9 = arith.constant 0 : index
    %get3A_10 = arith.constant 0 : index
    %get3A_11 = arith.constant 0 : index
    %get3A_12 = vector.load %arg3[%get3A_9, %get3A_10, %get3A_11] : memref<2x2000x128xf32, #tpu.memory_space<vmem>>, vector<1x2000x1xf32>
    %get3A_13 = vector.shape_cast %get3A_12 : vector<1x2000x1xf32> to vector<2000x1xf32>
    %get3A_14 = arith.constant 1 : index
    %get3A_15 = arith.constant 0 : index
    %get3A_16 = arith.constant 0 : index
    %get3A_17 = vector.load %arg3[%get3A_14, %get3A_15, %get3A_16] : memref<2x2000x128xf32, #tpu.memory_space<vmem>>, vector<1x2000x1xf32>
    %get3A_18 = vector.shape_cast %get3A_17 : vector<1x2000x1xf32> to vector<2000x1xf32>
    %add3A_19 = arith.addf %get3A_13, %get3A_18 : vector<2000x1xf32>
    %get3A_20 = arith.constant 0 : index
    %get3A_21 = arith.constant 0 : index
    %get3A_22 = arith.constant 0 : index
    %get3A_23 = vector.load %arg2[%get3A_20, %get3A_21, %get3A_22] : memref<2x2000x128xf32, #tpu.memory_space<vmem>>, vector<1x2000x1xf32>
    %get3A_24 = vector.shape_cast %get3A_23 : vector<1x2000x1xf32> to vector<2000x1xf32>
    %get3A_25 = arith.constant 1 : index
    %get3A_26 = arith.constant 0 : index
    %get3A_27 = arith.constant 0 : index
    %get3A_28 = vector.load %arg2[%get3A_25, %get3A_26, %get3A_27] : memref<2x2000x128xf32, #tpu.memory_space<vmem>>, vector<1x2000x1xf32>
    %get3A_29 = vector.shape_cast %get3A_28 : vector<1x2000x1xf32> to vector<2000x1xf32>
    %add3A_30 = arith.addf %get3A_24, %get3A_29 : vector<2000x1xf32>
    %sub3A = arith.subf %add3A_19, %add3A_30 : vector<2000x1xf32>
    %max3A = arith.constant 1.000000e+00 : f32
    %max3A_31 = vector.broadcast %max3A : f32 to vector<2000x1xf32>
    %max3A_32 = arith.maximumf %sub3A, %max3A_31 : vector<2000x1xf32>
    %div3A = vector.broadcast %max3A_32 : vector<2000x1xf32> to vector<2000x128xf32>
    %div3A_33 = arith.divf %add3A, %div3A : vector<2000x128xf32>
    %get3A_34 = arith.constant 0 : index
    %get3A_35 = arith.constant 0 : index
    %get3A_36 = vector.load %arg1[%get3A_34, %get3A_35] : memref<2000x128xf32, #tpu.memory_space<vmem>>, vector<2000x128xf32>
    %get3A_37 = arith.constant 0 : index
    %get3A_38 = arith.constant 0 : index
    %get3A_39 = vector.load %arg4[%get3A_37, %get3A_38] : memref<128x128xf32, #tpu.memory_space<vmem>>, vector<128x128xf32>
    %dot_general3A = arith.constant dense<0.000000e+00> : vector<2000x128xf32>
    %dot_general3A_40 = tpu.matmul %get3A_36, %get3A_39, %dot_general3A {dimension_numbers = #tpu.dot_dimension_numbers<[1], [0], [0], [1], [0, 0, 1, 1], [], []>, transpose_lhs_hint = false} : vector<2000x128xf32>, vector<128x128xf32>, vector<2000x128xf32> -> vector<2000x128xf32>
    %get3A_41 = arith.constant 0 : index
    %get3A_42 = arith.constant 0 : index
    %get3A_43 = vector.load %arg5[%get3A_41, %get3A_42] : memref<128x128xf32, #tpu.memory_space<vmem>>, vector<128x128xf32>
    %dot_general3A_44 = arith.constant dense<0.000000e+00> : vector<2000x128xf32>
    %dot_general3A_45 = tpu.matmul %div3A_33, %get3A_43, %dot_general3A_44 {dimension_numbers = #tpu.dot_dimension_numbers<[1], [0], [0], [1], [0, 0, 1, 1], [], []>, transpose_lhs_hint = false} : vector<2000x128xf32>, vector<128x128xf32>, vector<2000x128xf32> -> vector<2000x128xf32>
    %add3A_46 = arith.addf %dot_general3A_40, %dot_general3A_45 : vector<2000x128xf32>
    %swap3A = arith.constant 0 : index
    %swap3A_47 = arith.constant 0 : index
    %swap3A_48 = vector.load %arg6[%swap3A, %swap3A_47] : memref<2000x128xf32, #tpu.memory_space<vmem>>, vector<2000x128xf32>
    tpu.vector_store %arg6[%swap3A, %swap3A_47], %add3A_46 {strides = array<i32>} : memref<2000x128xf32, #tpu.memory_space<vmem>>, vector<2000x128xf32>,
    return
  }
  func.func @transform_0(%arg0: i32) -> (i32, i32) {
    %c0_i32 = arith.constant 0 : i32
    %c0_i32_0 = arith.constant 0 : i32
    return %arg0, %c0_i32 : i32, i32
  }
  func.func @transform_1(%arg0: i32) -> (i32, i32, i32) {
    %c0_i32 = arith.constant 0 : i32
    %c0_i32_0 = arith.constant 0 : i32
    %c0_i32_1 = arith.constant 0 : i32
    return %c0_i32, %arg0, %c0_i32_0 : i32, i32, i32
  }
  func.func @transform_2(%arg0: i32) -> (i32, i32, i32) {
    %c0_i32 = arith.constant 0 : i32
    %c0_i32_0 = arith.constant 0 : i32
    %c0_i32_1 = arith.constant 0 : i32
    return %c0_i32, %arg0, %c0_i32_0 : i32, i32, i32
  }
  func.func @transform_3(%arg0: i32) -> (i32, i32) {
    %c0_i32 = arith.constant 0 : i32
    %c0_i32_0 = arith.constant 0 : i32
    %c0_i32_1 = arith.constant 0 : i32
    return %c0_i32, %c0_i32_0 : i32, i32
  }
  func.func @transform_4(%arg0: i32) -> (i32, i32) {
    %c0_i32 = arith.constant 0 : i32
    %c0_i32_0 = arith.constant 0 : i32
    %c0_i32_1 = arith.constant 0 : i32
    return %c0_i32, %c0_i32_0 : i32, i32
  }
  func.func @transform_5(%arg0: i32) -> (i32, i32) {
    %c0_i32 = arith.constant 0 : i32
    %c0_i32_0 = arith.constant 0 : i32
    return %arg0, %c0_i32 : i32, i32
  }
}

</mosaic_0001>

<sc_bundles>
// kernel: kernel.4.cloned.1.call-start
scs
__scs_entry_jumppad:
0x0: {  	(pc) =	sbr.rel $0x88, $3  }
0x1: {  	(tag) =	ssettag $0x0;
	lr =	simm.s32 $0x1  }
0x2: {  	[smem:$0x3F9D] =	sst lr;
	_ =	strace $0xD0000000  }
0x3: {  	_ = 	snop  }
0x4: {  	_ = 	snop  }
0x5: {  	_ = 	snop  }
0x6: {  	_ = 	snop  }
0x7: {  	_ = 	snop  }
__scs_overlays_trampoline_lowered:
0x8: {  	[smem:$0x3FAC] =	sst s0  }
0x9: {  	[smem:$0x3FAD] =	sst s1  }
0xa: {  	[smem:$0x3FAE] =	sst s2  }
0xb: {  	[smem:$0x3FAF] =	sst s3  }
0xc: {  	[smem:$0x3FB0] =	sst s4  }
0xd: {  	[smem:$0x3FB1] =	sst s5  }
0xe: {  	[smem:$0x3FB2] =	sst s6  }
0xf: {  	[smem:$0x3FB3] =	sst s7  }
0x10: {  	[smem:$0x3FB4] =	sst s8  }
0x11: {  	[smem:$0x3FB5] =	sst s9;
	s0 =	simm.s32 @!p0 $0x0  }
0x12: {  	s1 =	sld [smem:$0x3F9B];
	s0 =	simm.s32 @p0 $0x1  }
0x13: {  	[smem:$0x3FB6] =	sst s0;
	s0 =	simm.s32 @!p1 $0x0  }
0x14: {  	s2 =	sld [smem:$0x3F9A];
	s0 =	simm.s32 @p1 $0x1  }
0x15: {  	[smem:$0x3FB7] =	sst s0;
	s0 =	simm.s32 @!p2 $0x0  }
0x16: {  	s3 =	sld [smem:$0x3FDB];
	s0 =	simm.s32 @p2 $0x1  }
0x17: {  	s4 =	simm.s32 $0x1BF5;
	[smem:$0x3FB9] =	sst s0  }
0x18: {  	s0 =	sld [smem:$0x3F9C];
	_ =	swait.ge [sflag:s4], $0x0  }
0x19: {  	s7 =	sld [smem:$0x3F9D]  }
0x1a: {  	s8 =	sadd.s32 $0xFFFFE003, lr  }
0x1b: {  	s9 =	sadd.s32 $0xFFFFFEF7, lr;
	s5 =	simm.s32 $0xFFFFFFFF;
	p2 =	slt.u32 s8, $0xFFFFF086  }
0x1c: {  	p1 =	slt.u32 s9, $0xF7A;
	s5 =	simm.s32 @!p2 $0x0  }
0x1d: {  	s5 =	simm.s32 @p1 $0x1;
	p0 =	seq.s32 s7, s2  }
0x1e: {  	s7 =	smul.u32 @!p0 $0xF7A, s2;
	p2 =	seq.s32 @!p0 s5, $0x0  }
0x1f: {  	s9 =	smul.u32 $0xF7A, s1;
	s8 =	simm.s32 @!p0 $0x1BF5;
	p2 =	por !p2, p0  }
0x20: {  	[sflag:s8] =	ssyncset.s32 @!p0 $0xFFFFF086;
	s6 =	sadd.s32 @!p0 s3, s7;
	s7 =	simm.s32 @!p0 $0x108  }
0x21: {  	s3 =	sadd.s32 s3, s9;
	s6 =	sadd.s32 @!p0 $0x88, s6;
	s7 =	simm.s32 @p2 $0x1082  }
0x22: {  	[simem:s7], [sflag:s8] =	dma.local @!p0 [hbm:s6], $0xF7A  }
0x23: {  	s9 =	sor.u32 $0xD0000000, s2;
	s6 =	simm.s32 $0x108;
	_ =	swait.ge @!p0 [sflag:s8], $0x0  }
0x24: {  	s3 =	sadd.s32 $0x88, s3;
	s6 =	simm.s32 @!p1 $0x1082;
	[sflag:s4] =	ssyncset.s32 $0xFFFFF086  }
0x25: {  	[simem:s6], [sflag:s4] =	dma.local [hbm:s3], $0xF7A  }
0x26: {  	[smem:$0x3F9D] =	sst s1;
	(tag) =	ssettag s2;
	_ =	strace s9  }
0x27: {  	s1 =	sld [smem:$0x3FAD]  }
0x28: {  	s2 =	sld [smem:$0x3FAE]  }
0x29: {  	s4 =	sld [smem:$0x3FB0]  }
0x2a: {  	p0 =	seq.s32 s5, $0x0;
	s5 =	sld [smem:$0x3FB1]  }
0x2b: {  	s6 =	sld [smem:$0x3FB2]  }
0x2c: {  	s7 =	sld [smem:$0x3FB3]  }
0x2d: {  	s3 =	simm.s32 $0x108;
	s8 =	sld [smem:$0x3FB4]  }
0x2e: {  	s3 =	simm.s32 @!p0 $0x1082;
	s9 =	sld [smem:$0x3FB5]  }
0x2f: {  	lr =	sadd.s32 s0, s3;
	s0 =	sld [smem:$0x3FAC]  }
0x30: {  	s3 =	sld [smem:$0x3FAF]  }
0x31: {  	[smem:$0x3FB8] =	sst s10  }
0x32: {  	s10 =	sld [smem:$0x3FB6];
	_ =	sdelay $0x3  }
0x33: {  	p0 =	seq.s32 s10, $0x1;
	s10 =	sld [smem:$0x3FB8];
	_ =	sdelay $0x3  }
0x34: {  	[smem:$0x3FB8] =	sst s10  }
0x35: {  	s10 =	sld [smem:$0x3FB7];
	_ =	sdelay $0x3  }
0x36: {  	p1 =	seq.s32 s10, $0x1;
	s10 =	sld [smem:$0x3FB8];
	_ =	sdelay $0x3  }
0x37: {  	[smem:$0x3FB8] =	sst s10  }
0x38: {  	s10 =	sld [smem:$0x3FB9]  }
0x39: {  	_ = 	snop;
	(pc) =	sbr.ind lr, $3  }
0x3a: {  	_ = 	snop  }
0x3b: {  	_ = 	snop  }
0x3c: {  	p2 =	seq.s32 s10, $0x1;
	s10 =	sld [smem:$0x3FB8]  }
0x3d: {  	_ =	shalt  }
0x3e: {  	_ =	shalt  }
0x3f: {  	_ =	shalt  }
0x40: {  	_ =	shalt  }
0x41: {  	_ =	shalt  }
0x42: {  	_ =	shalt  }
0x43: {  	_ =	shalt  }
0x44: {  	_ =	shalt  }
0x45: {  	_ =	shalt  }
0x46: {  	_ =	shalt  }
0x47: {  	_ =	shalt  }
0x48: {  	_ =	shalt  }
0x49: {  	_ =	shalt  }
0x4a: {  	_ =	shalt  }
0x4b: {  	_ =	shalt  }
0x4c: {  	_ =	shalt  }
0x4d: {  	_ =	shalt  }
0x4e: {  	_ =	shalt  }
0x4f: {  	_ =	shalt  }
0x50: {  	_ =	shalt  }
0x51: {  	_ =	shalt  }
0x52: {  	_ =	shalt  }
0x53: {  	_ =	shalt  }
0x54: {  	_ =	shalt  }
0x55: {  	_ =	shalt  }
0x56: {  	_ =	shalt  }
0x57: {  	_ =	shalt  }
0x58: {  	_ =	shalt  }
0x59: {  	_ =	shalt  }
0x5a: {  	_ =	shalt  }
0x5b: {  	_ =	shalt  }
0x5c: {  	_ =	shalt  }
0x5d: {  	_ =	shalt  }
0x5e: {  	_ =	shalt  }
0x5f: {  	_ =	shalt  }
0x60: {  	_ =	shalt  }
0x61: {  	_ =	shalt  }
0x62: {  	_ =	shalt  }
0x63: {  	_ =	shalt  }
0x64: {  	_ =	shalt  }
0x65: {  	_ =	shalt  }
0x66: {  	_ =	shalt  }
0x67: {  	_ =	shalt  }
0x68: {  	_ =	shalt  }
0x69: {  	_ =	shalt  }
0x6a: {  	_ =	shalt  }
0x6b: {  	_ =	shalt  }
0x6c: {  	_ =	shalt  }
0x6d: {  	_ =	shalt  }
0x6e: {  	_ =	shalt  }
0x6f: {  	_ =	shalt  }
0x70: {  	_ =	shalt  }
0x71: {  	_ =	shalt  }
0x72: {  	_ =	shalt  }
0x73: {  	_ =	shalt  }
0x74: {  	_ =	shalt  }
0x75: {  	_ =	shalt  }
0x76: {  	_ =	shalt  }
0x77: {  	_ =	shalt  }
0x78: {  	_ =	shalt  }
0x79: {  	_ =	shalt  }
0x7a: {  	_ =	shalt  }
0x7b: {  	_ =	shalt  }
0x7c: {  	_ =	shalt  }
0x7d: {  	_ =	shalt  }
0x7e: {  	_ =	shalt  }
0x7f: {  	_ =	shalt  }
0x80: {  	_ =	shalt  }
0x81: {  	_ =	shalt  }
0x82: {  	_ =	shalt  }
0x83: {  	_ =	shalt  }
0x84: {  	_ =	shalt  }
0x85: {  	_ =	shalt  }
0x86: {  	_ =	shalt  }
0x87: {  	_ =	shalt  }
.Lfunc_end0:
.L_simem_size_0:
called_computation_lowered:
.L_overlay_start_0:
0x88: {  	s2 =	sld [smem:$0x3FD9]  }
0x89: {  	s3 =	sld [smem:$0x3FFE];
	_ =	sdelay $0x1  }
0x8a: {  	s1 =	srdreg.scid  }
0x8b: {  	s0 =	sand.u32 $0x1, s1  }
0x8c: {  	s17 =	sshll.u32 s0, $0xA;
	s2 =	sadd.s32 s3, s2  }
0x8d: {  	s2 =	sadd.s32 s2, s17  }
0x8e: {  	[smem:$0x3FC4] =	sst s2  }
0x8f: {  	_ = 	snop  }
0x90: {  	s2 =	sld [smem:$0x3FC9]  }
0x91: {  	s18 =	sld [smem:$0x3FD0];
	(tm) =	ssettm $0x1  }
0x92: {  	s4 =	sld [smem:$0x3FFB];
	_ =	sdelay $0x3  }
0x93: {  	_ =	strace s4  }
0x94: {  	s4 =	sld [smem:$0x3FFC];
	_ =	sdelay $0x3  }
0x95: {  	_ =	strace s4  }
0x96: {  	s4 =	sld [smem:$0x3FFD];
	_ =	sdelay $0x3  }
0x97: {  	_ =	strace s4  }
0x98: {  	_ =	strace $0x8FFFFFFF  }
0x99: {  	s19 =	sld [smem:$0x3FDB];
	_ =	sdelay $0x1  }
0x9a: {  	s5 =	simm.s32 $_scs_section_size  }
0x9b: {  	s6 =	simm.s32 $_size__tile_overlayer_lowered;
	s7 =	simm.s32 $_tile_overlayer_lowered  }
0x9c: {  	s22 =	simm.s32 $0x1BFF;
	s21 =	sshll.u32 s7, $0x1;
	s4 =	sadd.s32 s5, s19  }
0x9d: {  	s8 =	simm.s32 $0x0;
	s20 =	sshll.u32 s6, $0x1;
	s6 =	sadd.s32 s21, s4  }
0x9e: {  	[timem:s8], [sflag:s22] =	dma.local [hbm:s6], s20  }
0x9f: {  	_ =	swait.ge [sflag:s22], s20  }
0xa0: {  	s5 =	ssub.s32 $0x0, s20;
	[sflag:s22] =	ssyncset.done $0x0  }
0xa1: {  	[sflag:s22] =	ssyncadd.s32 s5;
	_ =	sdelay $0x1  }
0xa2: {  	s23 =	simm.s32 $0x1B8B  }
0xa3: {  	_ =	swait.ge [sflag:s23], $0x1  }
0xa4: {  	[sflag:s23] =	ssyncset.done $0x0  }
0xa5: {  	s25 =	simm.s32 $0x1B8E;
	s24 =	sld [smem:$0x3FFE];
	[sflag:s23] =	ssyncadd.s32 $0xFFFFFFFF  }
0xa6: {  	s26 =	simm.s32 $execute0_lowered;
	[smem:$0x3FD2] =	sst s25  }
0xa7: {  	s6 =	sshll.u32 s26, $0x1;
	_ =	strace $0x80000046;
	[dreg:$0x1] =	wrdreg $0xFFFFFFFF  }
0xa8: {  	s28 =	simm.s32 $_size_execute0_lowered;
	s4 =	sadd.s32 s4, s6;
	[dreg:$0x0] =	wrdreg $0x0  }
0xa9: {  	s6 =	sshll.u32 s28, $0x1;
	[dreg:$0x2] =	wrdreg s4  }
0xaa: {  	[dreg:$0x3] =	wrdreg s6  }
0xab: {  	[dreg:$0x4] =	wrdreg $0xC0  }
0xac: {  	_ =	task [dreg:s8], $0x5FFFF  }
0xad: {  	[dreg:$0x1] =	wrdreg $0xFFFFFFFF  }
0xae: {  	[dreg:$0x0] =	wrdreg $0x60  }
0xaf: {  	[dreg:$0x2] =	wrdreg s24  }
0xb0: {  	[dreg:$0x3] =	wrdreg s18  }
0xb1: {  	[dreg:$0x4] =	wrdreg s2  }
0xb2: {  	[dreg:$0x5] =	wrdreg $0xA9000  }
0xb3: {  	[dreg:$0x6] =	wrdreg $0x9  }
0xb4: {  	_ =	task.clear_ibuf [dreg:s8], $0x7FFFF;
	_ =	strace $0x90000046  }
0xb5: {  	s29 =	simm.s32 $0x9;
	_ =	strace $0x80000048  }
0xb6: {  	_ =	swait.ge [sflag:s29], $0x1  }
0xb7: {  	[sflag:s29] =	ssyncadd.s32 $0xFFFFFFFF  }
0xb8: {  	_ =	strace $0x90000048  }
0xb9: {  	_ =	sfence  }
0xba: {  	s30 =	sld [smem:$0x0];
	_ =	sdelay $0x2  }
0xbb: {  	s31 =	sshll.u32 s1, $0xD;
	s1 =	sshrl.u32 s1, $0x2  }
0xbc: {  	s3 =	sand.u32 $0x4000, s31;
	s1 =	sadd.s32 s1, s30  }
0xbd: {  	s0 =	sor.u32 s3, s0;
	s1 =	sshll.u32 s1, $0x11  }
0xbe: {  	s0 =	sor.u32 s1, s0  }
0xbf: {  	s0 =	sadd.s32 $0x8F2B, s0  }
0xc0: {  	[sflag:s0] =	ssyncadd.remote.s32 $0x1  }
0xc1: {  	_ =	sfence.sel $0xFFFF  }
0xc2: {  	[dreg:$0x0] =	wrdreg $0xFFFFFFFF;
	(pc) =	sbr.abs _section_cstart, $3  }
0xc3: {  	[dreg:$0x1] =	wrdreg $0xFFFFFFFF  }
0xc4: {  	_ =	task.clear_ibuf [dreg:s8], $0x2FFFF;
	_ =	strace $0x9FFFFFFF  }
0xc5: {  	(tm) =	ssettm $0x7FFFFFFF  }
tec
execute0_lowered:
.L_overlay_start_1:
0x0: {  	(tag) =	ssettag $0x1  }
0x1: {  	s0 =	srdreg.scid;
	s23 =	stileid.u32  }
0x2: {  	s5 =	sand.u32 $0x1, s0;
	s11 =	smul.u32 $0x2800, s23  }
0x3: {  	s10 =	sor.u32 $0x10, s23;
	s9 =	smul.u32 $0x138800, s5  }
0x4: {  	s2 =	rddreg [dreg:$0x0];
	s13 =	sor.u32 $0x20, s23;
	s14 =	smul.u32 $0x2800, s10  }
0x5: {  	s1 =	simm.s32 $0x0;
	s16 =	sor.u32 $0x40, s23;
	s15 =	smul.u32 $0x2800, s13  }
0x6: {  	[smem:$0x7FF] =	sst s1;
	s18 =	sor.u32 $0x60, s23;
	s19 =	smul.u32 $0x2800, s16  }
0x7: {  	s7 =	sadd.s32 $0xAC00, s2;
	s4 =	sor.u32 $0x70, s23;
	s26 =	smul.u32 $0x2800, s18  }
0x8: {  	s8 =	sadd.s32 $0x58E00, s2;
	s0 =	sshll.u32 s5, $0x4;
	s24 =	smul.u32 $0x2800, s4  }
0x9: {  	s25 =	ssub.s32 $0x2, s5;
	s5 =	smul.u32 $0x27100, s5;
	p0 =	sgt.u32 s4, $0x7C  }
0xa: {  	s4 =	smul.u32 $0xA000, s4;
	s0 =	sor.u32 s23, s0;
	s3 =	sshrl.u32 s25, $0x1  }
0xb: {  	p1 =	sgt.u32 s23, $0xC;
	s6 =	smul.u32 $0x2710, s0;
	s12 =	ssub.s32 s25, s3  }
0xc: {  	s0 =	sor.u32 $0x30, s23;
	s11 =	sadd.s32 s9, s11;
	s3 =	sor.u32 $0x50, s23  }
0xd: {  	s14 =	sadd.s32 s9, s14;
	s15 =	sadd.s32 s9, s15;
	s19 =	sadd.s32 s9, s19  }
0xe: {  	s4 =	sshrl.u32 s4, $0x2;
	s17 =	smul.u32 $0x2800, s0;
	s11 =	sshrl.u32 s11, $0x3  }
0xf: {  	s20 =	smul.u32 $0x2800, s3;
	s14 =	sshrl.u32 s14, $0x3;
	s15 =	sshrl.u32 s15, $0x3  }
0x10: {  	s19 =	sshrl.u32 s19, $0x3;
	s0 =	smul.u32 $0xA000, s0;
	s21 =	sadd.s32 s7, s11  }
0x11: {  	s3 =	smul.u32 $0xA000, s3;
	s22 =	sadd.s32 s7, s14;
	[dreg:$0x5] =	wrdreg s21  }
0x12: {  	s25 =	sadd.s32 s7, s15;
	s11 =	sadd.s32 s8, s11;
	[dreg:$0x6] =	wrdreg s22  }
0x13: {  	s14 =	sadd.s32 s8, s14;
	s15 =	sadd.s32 s8, s15;
	[dreg:$0x7] =	wrdreg s25  }
0x14: {  	s6 =	sshrl.u32 s6, $0x3;
	s17 =	sadd.s32 s9, s17;
	[dreg:$0xd] =	wrdreg s11  }
0x15: {  	s20 =	sadd.s32 s9, s20;
	s21 =	sadd.s32 s9, s26;
	[dreg:$0xe] =	wrdreg s14  }
0x16: {  	s9 =	sadd.s32 s9, s24;
	s24 =	sadd.s32 s7, s19;
	[dreg:$0xf] =	wrdreg s15  }
0x17: {  	s19 =	sadd.s32 s8, s19;
	s15 =	rddreg [dreg:$0x1];
	s22 =	smul.u32 $0x2710, s23  }
0x18: {  	s2 =	sadd.s32 s6, s2;
	s0 =	sshrl.u32 s0, $0x2;
	s17 =	sshrl.u32 s17, $0x3  }
0x19: {  	s20 =	sshrl.u32 s20, $0x3;
	s21 =	sshrl.u32 s21, $0x3;
	[dreg:$0x9] =	wrdreg s24  }
0x1a: {  	s9 =	sshrl.u32 s9, $0x3;
	[dreg:$0x11] =	wrdreg s19;
	s26 =	sadd.s32 s7, s17  }
0x1b: {  	s2 =	sadd.s32 $0xE00, s2;
	s25 =	sadd.s32 s7, s20;
	[dreg:$0x8] =	wrdreg s26  }
0x1c: {  	s17 =	sadd.s32 s8, s17;
	s20 =	sadd.s32 s8, s20;
	[dreg:$0xa] =	wrdreg s25  }
0x1d: {  	s24 =	sadd.s32 s8, s21;
	s8 =	sadd.s32 s8, s9;
	[dreg:$0x10] =	wrdreg s17  }
0x1e: {  	s26 =	sadd.s32 s7, s21;
	[dreg:$0x12] =	wrdreg s20;
	s25 =	smul.u32 $0xA000, s23  }
0x1f: {  	s7 =	sadd.s32 s7, s9;
	s17 =	rddreg [dreg:$0x2];
	s9 =	smul.u32 $0xA000, s10  }
0x20: {  	[dreg:$0x13] =	wrdreg s24;
	s10 =	smax.u32 s12, $0x1;
	s12 =	smul.u32 $0xA000, s13  }
0x21: {  	s19 =	sshrl.u32 s3, $0x2;
	[dreg:$0x14] =	wrdreg s8;
	s13 =	smul.u32 $0xA000, s16  }
0x22: {  	s5 =	sadd.s32 s22, s5;
	s21 =	rddreg [dreg:$0x3];
	s16 =	smul.u32 $0xA000, s18  }
0x23: {  	s20 =	sadd.s32 $0x180, s5;
	s8 =	simm.s32 $0x6;
	[dreg:$0xb] =	wrdreg s26  }
0x24: {  	[dreg:$0xc] =	wrdreg s7;
	s26 =	sadd.s32 s15, s6;
	s31 =	sadd.s32 s4, s21  }
0x25: {  	s0 =	sadd.s32 s0, s21;
	s22 =	sshrl.u32 s20, $0x3;
	s20 =	simm.s32 $0x2  }
0x26: {  	s7 =	simm.s32 $0x0;
	_ =	strace $0x80000047;
	[dreg:$0x15] =	wrdreg s2  }
0x27: {  	[dreg:$0x17] =	wrdreg s10;
	s11 =	sshrl.u32 s25, $0x2;
	s2 =	sshrl.u32 s9, $0x2  }
0x28: {  	s14 =	sshrl.u32 s12, $0x2;
	s6 =	sshrl.u32 s13, $0x2;
	s18 =	sshrl.u32 s16, $0x2  }
0x29: {  	[dreg:$0x18] =	wrdreg s0;
	s0 =	sadd.s32 s19, s21;
	s3 =	sadd.s32 s22, s15  }
0x2a: {  	[dreg:$0x16] =	wrdreg s26;
	s23 =	sadd.s32 $0x4E0, s26;
	s9 =	simm.s32 $0x2900  }
0x2b: {  	s10 =	simm.s32 $0x5;
	s12 =	simm.s32 $0x2780;
	s13 =	simm.s32 $0x6900  }
0x2c: {  	s16 =	simm.s32 $0x1;
	s19 =	simm.s32 $0x3;
	s22 =	simm.s32 $0x4  }
0x2d: {  	s25 =	sadd.s32 s11, s21;
	s2 =	sadd.s32 s2, s21;
	s28 =	sadd.s32 s14, s21  }
0x2e: {  	s29 =	sadd.s32 s6, s21;
	s30 =	sadd.s32 s18, s21;
	[dreg:$0x19] =	wrdreg s0  }
0x2f: {  	s18 =	sadd.s32 $0x10, s26;
	[dreg:$0x1a] =	wrdreg s2;
	s24 =	sadd.s32 $0x78000, s25  }
0x30: {  	s11 =	simm.s32 $0x80;
	s26 =	sadd.s32 $0xC8000, s25;
	[dreg:$0x1b] =	wrdreg s24  }
0x31: {  	v0 =	vimm.f32 $0.0e+00;
	v1 =	vimm.f32 $1.000000000e+00;
	s14 =	simm.s32 $0x2800;
	s2 =	sadd.s32 $0x100, s5;
	[dreg:$0x1c] =	wrdreg s26  }
.LBB2_1:
0x32: {  	s0 =	rddreg [dreg:$0x15]  }
0x33: {  	[tilespmem:s1], [sflag:$0x6] =	stream.linear.gather [hbm4b:s0+s1], $0x2710, $0x38;
	[tilespmem:$0x1E180] =	vst v63  }
0x34: {  	_ =	swait.ge [sflag:s8], $0x2710  }
0x35: {  	s26 =	smov.u32 s23;
	[sflag:s8] =	ssyncset.done $0x0  }
0x36: {  	s6 =	simm.s32 $0x200;
	s0 =	simm.s32 $0x0;
	[sflag:s8] =	ssyncadd.s32 $0xFFFFD8F0  }
.LBB2_2:
0x37: {  	p2 =	sne.s32 s6, $0xFE00;
	[tilespmem:s0+$0x2970] =	vst v0  }
0x38: {  	[tilespmem:s0+$0x2900] =	vst v0  }
0x39: {  	[tilespmem:s0+$0x2910] =	vst v0  }
.Ltmp0:
0x3a: {  	[tilespmem:s0+$0x2920] =	vst v0;
	(pc) =	sbr.rel @p2 .LBB2_2-.Ltmp0, $4  }
0x3b: {  	[tilespmem:s0+$0x2930] =	vst v0  }
0x3c: {  	[tilespmem:s0+$0x2940] =	vst v0  }
0x3d: {  	[tilespmem:s0+$0x2950] =	vst v0  }
0x3e: {  	[tilespmem:s0+$0x2960] =	vst v0;
	s0 =	sshra.s32 s6, $0x2;
	s6 =	sadd.s32 $0x200, s6  }
0x3f: {  	[tilespmem:s0+$0x2970] =	vst v0  }
0x40: {  	[tilespmem:s0+$0x2900] =	vst v0  }
0x41: {  	[tilespmem:s0+$0x2910] =	vst v0  }
0x42: {  	[tilespmem:s0+$0x2920] =	vst v0  }
0x43: {  	[tilespmem:s0+$0x2930] =	vst v0  }
0x44: {  	[tilespmem:s0+$0x2940] =	vst v0  }
0x45: {  	[tilespmem:s0+$0x2950] =	vst v0  }
0x46: {  	[tilespmem:s0+$0x2960] =	vst v0  }
0x47: {  	[spmem:s25] =	stream.linear.scatter [tilespmem:s9], [sflag:$0x5], $0x2800, $0x38;
	[tilespmem:$0x1E180] =	vst v63  }
0x48: {  	s23 =	rddreg [dreg:$0x1a]  }
0x49: {  	[spmem:s23] =	stream.linear.scatter [tilespmem:s9], [sflag:$0x5], $0x2800, $0x38;
	[tilespmem:$0x1E180] =	vst v63  }
0x4a: {  	_ = 	snop  }
0x4b: {  	[spmem:s28] =	stream.linear.scatter [tilespmem:s9], [sflag:$0x5], $0x2800, $0x38;
	[tilespmem:$0x1E180] =	vst v63  }
0x4c: {  	s24 =	rddreg [dreg:$0x1b]  }
0x4d: {  	[spmem:s24] =	stream.linear.scatter [tilespmem:s9], [sflag:$0x5], $0x2800, $0x38;
	[tilespmem:$0x1E180] =	vst v63  }
0x4e: {  	_ = 	snop  }
0x4f: {  	[spmem:s29] =	stream.linear.scatter [tilespmem:s9], [sflag:$0x5], $0x2800, $0x38;
	[tilespmem:$0x1E180] =	vst v63  }
0x50: {  	s4 =	rddreg [dreg:$0x1c]  }
0x51: {  	[spmem:s4] =	stream.linear.scatter [tilespmem:s9], [sflag:$0x5], $0x2800, $0x38;
	[tilespmem:$0x1E180] =	vst v63  }
0x52: {  	_ = 	snop  }
0x53: {  	[spmem:s30] =	stream.linear.scatter [tilespmem:s9], [sflag:$0x5], $0x2800, $0x38;
	[tilespmem:$0x1E180] =	vst v63  }
0x54: {  	s0 =	simm.s32 @!p0 $0x2900  }
0x55: {  	[spmem:s31] =	stream.linear.scatter @!p0 [tilespmem:s0], [sflag:$0x5], $0x2800, $0x38;
	[tilespmem:$0x1E180] =	vst v63  }
0x56: {  	_ =	swait.ge [sflag:s10], $0x2800  }
0x57: {  	[sflag:s10] =	ssyncset.done $0x0  }
0x58: {  	[sflag:s10] =	ssyncadd.s32 $0xFFFFD800  }
0x59: {  	_ =	swait.ge [sflag:s10], $0x2800  }
0x5a: {  	[sflag:s10] =	ssyncset.done $0x0  }
0x5b: {  	[sflag:s10] =	ssyncadd.s32 $0xFFFFD800  }
0x5c: {  	_ =	swait.ge [sflag:s10], $0x2800  }
0x5d: {  	[sflag:s10] =	ssyncset.done $0x0  }
0x5e: {  	[sflag:s10] =	ssyncadd.s32 $0xFFFFD800  }
0x5f: {  	_ =	swait.ge [sflag:s10], $0x2800  }
0x60: {  	[sflag:s10] =	ssyncset.done $0x0  }
0x61: {  	[sflag:s10] =	ssyncadd.s32 $0xFFFFD800  }
0x62: {  	_ =	swait.ge [sflag:s10], $0x2800  }
0x63: {  	[sflag:s10] =	ssyncset.done $0x0  }
0x64: {  	[sflag:s10] =	ssyncadd.s32 $0xFFFFD800  }
0x65: {  	_ =	swait.ge [sflag:s10], $0x2800  }
0x66: {  	[sflag:s10] =	ssyncset.done $0x0  }
0x67: {  	[sflag:s10] =	ssyncadd.s32 $0xFFFFD800  }
0x68: {  	_ =	swait.ge [sflag:s10], $0x2800  }
0x69: {  	[sflag:s10] =	ssyncset.done $0x0  }
0x6a: {  	s0 =	simm.s32 @!p1 $0x5;
	[sflag:s10] =	ssyncadd.s32 $0xFFFFD800  }
0x6b: {  	_ =	swait.ge @!p1 [sflag:s0], $0x2800  }
0x6c: {  	[sflag:s0] =	ssyncset.done @!p1 $0x0  }
0x6d: {  	[sflag:s0] =	ssyncadd.s32 @!p1 $0xFFFFD800  }
0x6e: {  	s5 =	simm.s32 $0x0;
	[bflag:$0x0] =	sbarrier.arrive $0xFFFF  }
0x6f: {  	[tilespmem:s9], [sflag:$0x1] =	stream.indirect.gather [hbm4b:s17+s11], $0x80, s5, s11, $0xb8;
	[tilespmem:$0x1E180] =	vst v63  }
0x70: {  	s4 =	rddreg [dreg:$0x16]  }
0x71: {  	[tilespmem:s12], [sflag:$0x3] =	stream.linear.gather [hbm4b:s4+s5], $0x80, $0x38;
	[tilespmem:$0x1E180] =	vst v63  }
0x72: {  	_ = 	snop  }
0x73: {  	[tilespmem:s13], [sflag:$0x2] =	stream.indirect.gather [hbm4b:s17+s11], $0x80, s11, s11, $0xb8;
	[tilespmem:$0x1E180] =	vst v63  }
0x74: {  	_ = 	snop  }
0x75: {  	[tilespmem:s14], [sflag:$0x4] =	stream.linear.gather [hbm4b:s18+s5], $0x80, $0x38;
	[tilespmem:$0x1E180] =	vst v63  }
0x76: {  	_ =	swait.ge [sflag:s16], $0x4000  }
0x77: {  	[sflag:s16] =	ssyncset.done $0x0  }
0x78: {  	[sflag:s16] =	ssyncadd.s32 $0xFFFFC000  }
0x79: {  	_ =	swait.ge [sflag:s19], $0x80  }
0x7a: {  	[sflag:s19] =	ssyncset.done $0x0  }
0x7b: {  	[sflag:s19] =	ssyncadd.s32 $0xFFFFFF80  }
0x7c: {  	[spmem:s21] =	stream.indirect.scatter.add.f32 [tilespmem:s9], [sflag:$0x6], $0x80, s12, s11, $0xb8;
	[tilespmem:$0x1E180] =	vst v63  }
0x7d: {  	_ =	swait.ge [sflag:s8], $0x4000  }
0x7e: {  	s6 =	simm.s32 $0x100;
	[sflag:s8] =	ssyncset.done $0x0  }
0x7f: {  	s24 =	smov.u32 s18;
	s18 =	sshrl.u32 s2, $0x3;
	[sflag:s8] =	ssyncadd.s32 $0xFFFFC000  }
0x80: {  	[tilespmem:s9], [sflag:$0x1] =	stream.indirect.gather [hbm4b:s17+s11], $0x80, s6, s11, $0xb8;
	[tilespmem:$0x1E180] =	vst v63  }
0x81: {  	s6 =	sadd.s32 s15, s18  }
0x82: {  	[tilespmem:s12], [sflag:$0x3] =	stream.linear.gather [hbm4b:s6+s1], $0x80, $0x38;
	[tilespmem:$0x1E180] =	vst v63  }
0x83: {  	_ =	swait.ge [sflag:s20], $0x4000  }
0x84: {  	[sflag:s20] =	ssyncset.done $0x0  }
0x85: {  	[sflag:s20] =	ssyncadd.s32 $0xFFFFC000  }
0x86: {  	_ =	swait.ge [sflag:s22], $0x80  }
0x87: {  	[sflag:s22] =	ssyncset.done $0x0  }
0x88: {  	[sflag:s22] =	ssyncadd.s32 $0xFFFFFF80  }
0x89: {  	[spmem:s21] =	stream.indirect.scatter.add.f32 [tilespmem:s13], [sflag:$0x6], $0x80, s14, s11, $0xb8;
	[tilespmem:$0x1E180] =	vst v63  }
0x8a: {  	_ =	swait.ge [sflag:s8], $0x4000  }
0x8b: {  	[sflag:s8] =	ssyncset.done $0x0  }
0x8c: {  	s23 =	simm.s32 $0x180;
	s0 =	simm.s32 $0x200;
	[sflag:s8] =	ssyncadd.s32 $0xFFFFC000  }
0x8d: {  	[tilespmem:s13], [sflag:$0x2] =	stream.indirect.gather [hbm4b:s17+s11], $0x80, s23, s11, $0xb8;
	[tilespmem:$0x1E180] =	vst v63  }
0x8e: {  	s4 =	sadd.s32 $0x0, s3;
	s18 =	sadd.s32 $0x100, s2;
	s23 =	simm.s32 $0x20  }
.LBB2_4:
0x8f: {  	[tilespmem:s14], [sflag:$0x4] =	stream.linear.gather [hbm4b:s4+s1], $0x80, $0x38;
	[tilespmem:$0x1E180] =	vst v63  }
0x90: {  	s4 =	smov.u32 s23  }
0x91: {  	p2 =	sne.s32 s23, $0x4A0;
	s23 =	sadd.s32 $0x20, s23;
	_ =	swait.ge [sflag:s16], $0x4000  }
0x92: {  	[sflag:s16] =	ssyncset.done $0x0  }
0x93: {  	[sflag:s16] =	ssyncadd.s32 $0xFFFFC000  }
0x94: {  	_ =	swait.ge [sflag:s19], $0x80  }
0x95: {  	[sflag:s19] =	ssyncset.done $0x0  }
0x96: {  	[sflag:s19] =	ssyncadd.s32 $0xFFFFFF80  }
0x97: {  	[spmem:s21] =	stream.indirect.scatter.add.f32 [tilespmem:s9], [sflag:$0x6], $0x80, s12, s11, $0xb8;
	[tilespmem:$0x1E180] =	vst v63  }
0x98: {  	_ =	swait.ge [sflag:s8], $0x4000  }
0x99: {  	[sflag:s8] =	ssyncset.done $0x0  }
0x9a: {  	s5 =	sshrl.u32 s18, $0x3;
	[sflag:s8] =	ssyncadd.s32 $0xFFFFC000  }
0x9b: {  	[tilespmem:s9], [sflag:$0x1] =	stream.indirect.gather [hbm4b:s17+s11], $0x80, s0, s11, $0xb8;
	[tilespmem:$0x1E180] =	vst v63  }
0x9c: {  	s5 =	sadd.s32 s15, s5  }
0x9d: {  	[tilespmem:s12], [sflag:$0x3] =	stream.linear.gather [hbm4b:s5+s1], $0x80, $0x38;
	[tilespmem:$0x1E180] =	vst v63  }
0x9e: {  	_ =	swait.ge [sflag:s20], $0x4000  }
0x9f: {  	[sflag:s20] =	ssyncset.done $0x0  }
0xa0: {  	[sflag:s20] =	ssyncadd.s32 $0xFFFFC000  }
0xa1: {  	_ =	swait.ge [sflag:s22], $0x80  }
0xa2: {  	[sflag:s22] =	ssyncset.done $0x0  }
0xa3: {  	[sflag:s22] =	ssyncadd.s32 $0xFFFFFF80  }
0xa4: {  	[spmem:s21] =	stream.indirect.scatter.add.f32 [tilespmem:s13], [sflag:$0x6], $0x80, s14, s11, $0xb8;
	[tilespmem:$0x1E180] =	vst v63  }
.Ltmp1:
0xa5: {  	_ =	swait.ge [sflag:s8], $0x4000;
	(pc) =	sbr.rel @p2 .LBB2_4-.Ltmp1, $4  }
0xa6: {  	[sflag:s8] =	ssyncset.done $0x0  }
0xa7: {  	s5 =	sadd.s32 $0x80, s0;
	[sflag:s8] =	ssyncadd.s32 $0xFFFFC000  }
0xa8: {  	[tilespmem:s13], [sflag:$0x2] =	stream.indirect.gather [hbm4b:s17+s11], $0x80, s5, s11, $0xb8;
	[tilespmem:$0x1E180] =	vst v63  }
0xa9: {  	s18 =	sadd.s32 $0x100, s18;
	s4 =	sadd.s32 s4, s3;
	s0 =	sadd.s32 $0x100, s0  }
0xaa: {  	[tilespmem:s14], [sflag:$0x4] =	stream.linear.gather [hbm4b:s4+s1], $0x80, $0x38;
	[tilespmem:$0x1E180] =	vst v63  }
0xab: {  	_ =	swait.ge [sflag:s16], $0x4000  }
0xac: {  	[sflag:s16] =	ssyncset.done $0x0  }
0xad: {  	[sflag:s16] =	ssyncadd.s32 $0xFFFFC000  }
0xae: {  	_ =	swait.ge [sflag:s19], $0x80  }
0xaf: {  	[sflag:s19] =	ssyncset.done $0x0  }
0xb0: {  	[sflag:s19] =	ssyncadd.s32 $0xFFFFFF80  }
0xb1: {  	[spmem:s21] =	stream.indirect.scatter.add.f32 [tilespmem:s9], [sflag:$0x6], $0x80, s12, s11, $0xb8;
	[tilespmem:$0x1E180] =	vst v63  }
0xb2: {  	_ =	swait.ge [sflag:s8], $0x4000  }
0xb3: {  	[sflag:s8] =	ssyncset.done $0x0  }
0xb4: {  	[sflag:s8] =	ssyncadd.s32 $0xFFFFC000  }
0xb5: {  	_ =	swait.ge [sflag:s20], $0x4000  }
0xb6: {  	[sflag:s20] =	ssyncset.done $0x0  }
0xb7: {  	[sflag:s20] =	ssyncadd.s32 $0xFFFFC000  }
0xb8: {  	_ =	swait.ge [sflag:s22], $0x80  }
0xb9: {  	[sflag:s22] =	ssyncset.done $0x0  }
0xba: {  	[sflag:s22] =	ssyncadd.s32 $0xFFFFFF80  }
0xbb: {  	[spmem:s21] =	stream.indirect.scatter.add.f32 [tilespmem:s13], [sflag:$0x6], $0x80, s14, s11, $0xb8;
	[tilespmem:$0x1E180] =	vst v63  }
0xbc: {  	_ =	swait.ge [sflag:s8], $0x4000  }
0xbd: {  	[sflag:s8] =	ssyncset.done $0x0  }
0xbe: {  	s23 =	smov.u32 s26;
	s26 =	simm.s32 $0x2880;
	[sflag:s8] =	ssyncadd.s32 $0xFFFFC000  }
0xbf: {  	[tilespmem:s26], [sflag:$0x6] =	stream.linear.gather [hbm4b:s23+s1], $0x10, $0x38;
	[tilespmem:$0x1E180] =	vst v63  }
0xc0: {  	_ =	swait.ge [sflag:s8], $0x10  }
0xc1: {  	[sflag:s8] =	ssyncset.done $0x0  }
0xc2: {  	s0 =	simm.s32 $0x10;
	s5 =	simm.s32 $0x2700;
	[sflag:s8] =	ssyncadd.s32 $0xFFFFFFF0  }
0xc3: {  	[tilespmem:s9], [sflag:$0x1] =	stream.indirect.gather [hbm4b:s17+s0], $0x80, s5, s0, $0xb8;
	[tilespmem:$0x1E180] =	vst v63  }
0xc4: {  	_ =	swait.ge [sflag:s16], $0x800  }
0xc5: {  	[sflag:s16] =	ssyncset.done $0x0  }
0xc6: {  	[sflag:s16] =	ssyncadd.s32 $0xFFFFF800  }
0xc7: {  	[spmem:s21] =	stream.indirect.scatter.add.f32 [tilespmem:s9], [sflag:$0x6], $0x80, s26, s0, $0xb8;
	[tilespmem:$0x1E180] =	vst v63  }
0xc8: {  	_ =	swait.ge [sflag:s8], $0x800  }
0xc9: {  	[sflag:s8] =	ssyncset.done $0x0  }
0xca: {  	[sflag:s8] =	ssyncadd.s32 $0xFFFFF800  }
0xcb: {  	[bflag:$0x0] =	sbarrier.arrive $0xFFFF  }
0xcc: {  	[tilespmem:s9], [sflag:$0x6] =	stream.linear.gather [spmem:s25], $0x2800, $0x38;
	[tilespmem:$0x1E180] =	vst v63  }
0xcd: {  	_ =	swait.ge [sflag:s8], $0x2800  }
0xce: {  	[sflag:s8] =	ssyncset.done $0x0  }
0xcf: {  	s18 =	rddreg [dreg:$0x5];
	[sflag:s8] =	ssyncadd.s32 $0xFFFFD800  }
0xd0: {  	[hbm4b:s18+s1] =	stream.linear.scatter [tilespmem:s9], [sflag:$0x5], $0x2800, $0x38;
	[tilespmem:$0x1E180] =	vst v63  }
0xd1: {  	s4 =	rddreg [dreg:$0x1a]  }
0xd2: {  	[tilespmem:s13], [sflag:$0x6] =	stream.linear.gather [spmem:s4], $0x2800, $0x38;
	[tilespmem:$0x1E180] =	vst v63  }
0xd3: {  	_ =	swait.ge [sflag:s8], $0x2800  }
0xd4: {  	[sflag:s8] =	ssyncset.done $0x0  }
0xd5: {  	s5 =	rddreg [dreg:$0x6];
	[sflag:s8] =	ssyncadd.s32 $0xFFFFD800  }
0xd6: {  	[hbm4b:s5+s1] =	stream.linear.scatter [tilespmem:s13], [sflag:$0x5], $0x2800, $0x38;
	[tilespmem:$0x1E180] =	vst v63  }
0xd7: {  	_ =	swait.ge [sflag:s10], $0x2800  }
0xd8: {  	[sflag:s10] =	ssyncset.done $0x0  }
0xd9: {  	[sflag:s10] =	ssyncadd.s32 $0xFFFFD800  }
0xda: {  	[tilespmem:s9], [sflag:$0x6] =	stream.linear.gather [spmem:s28], $0x2800, $0x38;
	[tilespmem:$0x1E180] =	vst v63  }
0xdb: {  	_ =	swait.ge [sflag:s8], $0x2800  }
0xdc: {  	[sflag:s8] =	ssyncset.done $0x0  }
0xdd: {  	s18 =	rddreg [dreg:$0x7];
	[sflag:s8] =	ssyncadd.s32 $0xFFFFD800  }
0xde: {  	[hbm4b:s18+s1] =	stream.linear.scatter [tilespmem:s9], [sflag:$0x5], $0x2800, $0x38;
	[tilespmem:$0x1E180] =	vst v63  }
0xdf: {  	_ =	swait.ge [sflag:s10], $0x2800  }
0xe0: {  	[sflag:s10] =	ssyncset.done $0x0  }
0xe1: {  	s4 =	rddreg [dreg:$0x18];
	[sflag:s10] =	ssyncadd.s32 $0xFFFFD800  }
0xe2: {  	[tilespmem:s13], [sflag:$0x6] =	stream.linear.gather [spmem:s4], $0x2800, $0x38;
	[tilespmem:$0x1E180] =	vst v63  }
0xe3: {  	_ =	swait.ge [sflag:s8], $0x2800  }
0xe4: {  	[sflag:s8] =	ssyncset.done $0x0  }
0xe5: {  	s5 =	rddreg [dreg:$0x8];
	[sflag:s8] =	ssyncadd.s32 $0xFFFFD800  }
0xe6: {  	[hbm4b:s5+s1] =	stream.linear.scatter [tilespmem:s13], [sflag:$0x5], $0x2800, $0x38;
	[tilespmem:$0x1E180] =	vst v63  }
0xe7: {  	_ =	swait.ge [sflag:s10], $0x2800  }
0xe8: {  	[sflag:s10] =	ssyncset.done $0x0  }
0xe9: {  	[sflag:s10] =	ssyncadd.s32 $0xFFFFD800  }
0xea: {  	[tilespmem:s9], [sflag:$0x6] =	stream.linear.gather [spmem:s29], $0x2800, $0x38;
	[tilespmem:$0x1E180] =	vst v63  }
0xeb: {  	_ =	swait.ge [sflag:s8], $0x2800  }
0xec: {  	[sflag:s8] =	ssyncset.done $0x0  }
0xed: {  	s18 =	rddreg [dreg:$0x9];
	[sflag:s8] =	ssyncadd.s32 $0xFFFFD800  }
0xee: {  	[hbm4b:s18+s1] =	stream.linear.scatter [tilespmem:s9], [sflag:$0x5], $0x2800, $0x38;
	[tilespmem:$0x1E180] =	vst v63  }
0xef: {  	_ =	swait.ge [sflag:s10], $0x2800  }
0xf0: {  	[sflag:s10] =	ssyncset.done $0x0  }
0xf1: {  	s4 =	rddreg [dreg:$0x19];
	[sflag:s10] =	ssyncadd.s32 $0xFFFFD800  }
0xf2: {  	[tilespmem:s13], [sflag:$0x6] =	stream.linear.gather [spmem:s4], $0x2800, $0x38;
	[tilespmem:$0x1E180] =	vst v63  }
0xf3: {  	_ =	swait.ge [sflag:s8], $0x2800  }
0xf4: {  	[sflag:s8] =	ssyncset.done $0x0  }
0xf5: {  	s5 =	rddreg [dreg:$0xa];
	[sflag:s8] =	ssyncadd.s32 $0xFFFFD800  }
0xf6: {  	[hbm4b:s5+s1] =	stream.linear.scatter [tilespmem:s13], [sflag:$0x5], $0x2800, $0x38;
	[tilespmem:$0x1E180] =	vst v63  }
0xf7: {  	_ =	swait.ge [sflag:s10], $0x2800  }
0xf8: {  	[sflag:s10] =	ssyncset.done $0x0  }
0xf9: {  	[sflag:s10] =	ssyncadd.s32 $0xFFFFD800  }
0xfa: {  	[tilespmem:s9], [sflag:$0x6] =	stream.linear.gather [spmem:s30], $0x2800, $0x38;
	[tilespmem:$0x1E180] =	vst v63  }
0xfb: {  	_ =	swait.ge [sflag:s8], $0x2800  }
0xfc: {  	[sflag:s8] =	ssyncset.done $0x0  }
0xfd: {  	s0 =	simm.s32 @!p0 $0x5;
	s18 =	rddreg [dreg:$0xb];
	[sflag:s8] =	ssyncadd.s32 $0xFFFFD800  }
0xfe: {  	[hbm4b:s18+s1] =	stream.linear.scatter [tilespmem:s9], [sflag:$0x5], $0x2800, $0x38;
	[tilespmem:$0x1E180] =	vst v63  }
0xff: {  	_ =	swait.ge @!p0 [sflag:s0], $0x2800  }
0x100: {  	[sflag:s0] =	ssyncset.done @!p0 $0x0  }
0x101: {  	s4 =	simm.s32 @!p0 $0x6;
	[sflag:s0] =	ssyncadd.s32 @!p0 $0xFFFFD800;
	s0 =	simm.s32 @!p0 $0x6900  }
0x102: {  	[tilespmem:s0], [sflag:$0x6] =	stream.linear.gather @!p0 [spmem:s31], $0x2800, $0x38;
	[tilespmem:$0x1E180] =	vst v63  }
0x103: {  	_ =	swait.ge @!p0 [sflag:s4], $0x2800  }
0x104: {  	[sflag:s4] =	ssyncset.done @!p0 $0x0  }
0x105: {  	s5 =	rddreg [dreg:$0xc];
	[sflag:s4] =	ssyncadd.s32 @!p0 $0xFFFFD800;
	s4 =	simm.s32 @!p0 $0x0  }
0x106: {  	[hbm4b:s5+s4] =	stream.linear.scatter @!p0 [tilespmem:s0], [sflag:$0x5], $0x2800, $0x38;
	[tilespmem:$0x1E180] =	vst v63  }
0x107: {  	_ =	swait.ge [sflag:s10], $0x2800  }
0x108: {  	[sflag:s10] =	ssyncset.done $0x0  }
0x109: {  	[sflag:s10] =	ssyncadd.s32 $0xFFFFD800  }
0x10a: {  	_ =	swait.ge [sflag:s10], $0x2800  }
0x10b: {  	[sflag:s10] =	ssyncset.done $0x0  }
0x10c: {  	[sflag:s10] =	ssyncadd.s32 $0xFFFFD800  }
0x10d: {  	s18 =	simm.s32 $0x200;
	s0 =	simm.s32 $0x0;
	[bflag:$0x0] =	sbarrier.arrive $0xFFFF  }
.LBB2_6:
0x10e: {  	p2 =	sne.s32 s18, $0xFE00;
	[tilespmem:s0+$0x2970] =	vst v1  }
0x10f: {  	[tilespmem:s0+$0x2900] =	vst v1  }
0x110: {  	[tilespmem:s0+$0x2910] =	vst v1  }
.Ltmp2:
0x111: {  	[tilespmem:s0+$0x2920] =	vst v1;
	(pc) =	sbr.rel @p2 .LBB2_6-.Ltmp2, $4  }
0x112: {  	[tilespmem:s0+$0x2930] =	vst v1  }
0x113: {  	[tilespmem:s0+$0x2940] =	vst v1  }
0x114: {  	[tilespmem:s0+$0x2950] =	vst v1  }
0x115: {  	[tilespmem:s0+$0x2960] =	vst v1;
	s0 =	sshra.s32 s18, $0x2;
	s18 =	sadd.s32 $0x200, s18  }
0x116: {  	[tilespmem:s0+$0x2970] =	vst v1  }
0x117: {  	[tilespmem:s0+$0x2900] =	vst v1  }
0x118: {  	[tilespmem:s0+$0x2910] =	vst v1  }
0x119: {  	[tilespmem:s0+$0x2920] =	vst v1  }
0x11a: {  	[tilespmem:s0+$0x2930] =	vst v1  }
0x11b: {  	[tilespmem:s0+$0x2940] =	vst v1  }
0x11c: {  	[tilespmem:s0+$0x2950] =	vst v1  }
0x11d: {  	[tilespmem:s0+$0x2960] =	vst v1;
	s5 =	simm.s32 $0x0;
	s4 =	rddreg [dreg:$0x16]  }
0x11e: {  	[tilespmem:s12], [sflag:$0x3] =	stream.linear.gather [hbm4b:s4+s5], $0x80, $0x38;
	[tilespmem:$0x1E180] =	vst v63  }
0x11f: {  	_ = 	snop  }
0x120: {  	[tilespmem:s14], [sflag:$0x4] =	stream.linear.gather [hbm4b:s24+s5], $0x80, $0x38;
	[tilespmem:$0x1E180] =	vst v63  }
0x121: {  	_ =	swait.ge [sflag:s19], $0x80  }
0x122: {  	[sflag:s19] =	ssyncset.done $0x0  }
0x123: {  	[sflag:s19] =	ssyncadd.s32 $0xFFFFFF80  }
0x124: {  	[spmem:s21] =	stream.indirect.scatter.add.f32 [tilespmem:s9], [sflag:$0x6], $0x80, s12, s11, $0xb8;
	[tilespmem:$0x1E180] =	vst v63  }
0x125: {  	_ =	swait.ge [sflag:s8], $0x4000  }
0x126: {  	[sflag:s8] =	ssyncset.done $0x0  }
0x127: {  	[sflag:s8] =	ssyncadd.s32 $0xFFFFC000  }
0x128: {  	[tilespmem:s12], [sflag:$0x3] =	stream.linear.gather [hbm4b:s6+s1], $0x80, $0x38;
	[tilespmem:$0x1E180] =	vst v63  }
0x129: {  	_ =	swait.ge [sflag:s22], $0x80  }
0x12a: {  	[sflag:s22] =	ssyncset.done $0x0  }
0x12b: {  	[sflag:s22] =	ssyncadd.s32 $0xFFFFFF80  }
0x12c: {  	[spmem:s21] =	stream.indirect.scatter.add.f32 [tilespmem:s9], [sflag:$0x6], $0x80, s14, s11, $0xb8;
	[tilespmem:$0x1E180] =	vst v63  }
0x12d: {  	_ =	swait.ge [sflag:s8], $0x4000  }
0x12e: {  	s18 =	smov.u32 s24;
	s0 =	simm.s32 $0x20;
	[sflag:s8] =	ssyncset.done $0x0  }
0x12f: {  	s4 =	sadd.s32 $0x0, s3;
	s6 =	sadd.s32 $0x100, s2;
	[sflag:s8] =	ssyncadd.s32 $0xFFFFC000  }
.LBB2_8:
0x130: {  	[tilespmem:s14], [sflag:$0x4] =	stream.linear.gather [hbm4b:s4+s1], $0x80, $0x38;
	[tilespmem:$0x1E180] =	vst v63  }
0x131: {  	s4 =	smov.u32 s0  }
0x132: {  	p2 =	sne.s32 s0, $0x4A0;
	s0 =	sadd.s32 $0x20, s0;
	_ =	swait.ge [sflag:s19], $0x80  }
0x133: {  	[sflag:s19] =	ssyncset.done $0x0  }
0x134: {  	[sflag:s19] =	ssyncadd.s32 $0xFFFFFF80  }
0x135: {  	[spmem:s21] =	stream.indirect.scatter.add.f32 [tilespmem:s9], [sflag:$0x6], $0x80, s12, s11, $0xb8;
	[tilespmem:$0x1E180] =	vst v63  }
0x136: {  	_ =	swait.ge [sflag:s8], $0x4000  }
0x137: {  	s5 =	sshrl.u32 s6, $0x3;
	[sflag:s8] =	ssyncset.done $0x0  }
0x138: {  	s5 =	sadd.s32 s15, s5;
	[sflag:s8] =	ssyncadd.s32 $0xFFFFC000  }
0x139: {  	[tilespmem:s12], [sflag:$0x3] =	stream.linear.gather [hbm4b:s5+s1], $0x80, $0x38;
	[tilespmem:$0x1E180] =	vst v63  }
0x13a: {  	_ =	swait.ge [sflag:s22], $0x80  }
0x13b: {  	[sflag:s22] =	ssyncset.done $0x0  }
.Ltmp3:
0x13c: {  	[sflag:s22] =	ssyncadd.s32 $0xFFFFFF80;
	(pc) =	sbr.rel @p2 .LBB2_8-.Ltmp3, $4  }
0x13d: {  	[spmem:s21] =	stream.indirect.scatter.add.f32 [tilespmem:s9], [sflag:$0x6], $0x80, s14, s11, $0xb8;
	[tilespmem:$0x1E180] =	vst v63  }
0x13e: {  	_ =	swait.ge [sflag:s8], $0x4000  }
0x13f: {  	[sflag:s8] =	ssyncset.done $0x0  }
0x140: {  	s6 =	sadd.s32 $0x100, s6;
	s4 =	sadd.s32 s4, s3;
	[sflag:s8] =	ssyncadd.s32 $0xFFFFC000  }
0x141: {  	[tilespmem:s14], [sflag:$0x4] =	stream.linear.gather [hbm4b:s4+s1], $0x80, $0x38;
	[tilespmem:$0x1E180] =	vst v63  }
0x142: {  	_ =	swait.ge [sflag:s19], $0x80  }
0x143: {  	[sflag:s19] =	ssyncset.done $0x0  }
0x144: {  	[sflag:s19] =	ssyncadd.s32 $0xFFFFFF80  }
0x145: {  	[spmem:s21] =	stream.indirect.scatter.add.f32 [tilespmem:s9], [sflag:$0x6], $0x80, s12, s11, $0xb8;
	[tilespmem:$0x1E180] =	vst v63  }
0x146: {  	_ =	swait.ge [sflag:s8], $0x4000  }
0x147: {  	[sflag:s8] =	ssyncset.done $0x0  }
0x148: {  	[sflag:s8] =	ssyncadd.s32 $0xFFFFC000  }
0x149: {  	_ =	swait.ge [sflag:s22], $0x80  }
0x14a: {  	[sflag:s22] =	ssyncset.done $0x0  }
0x14b: {  	[sflag:s22] =	ssyncadd.s32 $0xFFFFFF80  }
0x14c: {  	[spmem:s21] =	stream.indirect.scatter.add.f32 [tilespmem:s9], [sflag:$0x6], $0x80, s14, s11, $0xb8;
	[tilespmem:$0x1E180] =	vst v63  }
0x14d: {  	_ =	swait.ge [sflag:s8], $0x4000  }
0x14e: {  	[sflag:s8] =	ssyncset.done $0x0  }
0x14f: {  	[sflag:s8] =	ssyncadd.s32 $0xFFFFC000  }
0x150: {  	[tilespmem:s26], [sflag:$0x6] =	stream.linear.gather [hbm4b:s23+s1], $0x10, $0x38;
	[tilespmem:$0x1E180] =	vst v63  }
0x151: {  	_ =	swait.ge [sflag:s8], $0x10  }
0x152: {  	[sflag:s8] =	ssyncset.done $0x0  }
0x153: {  	s0 =	simm.s32 $0x10;
	[sflag:s8] =	ssyncadd.s32 $0xFFFFFFF0  }
0x154: {  	[spmem:s21] =	stream.indirect.scatter.add.f32 [tilespmem:s9], [sflag:$0x6], $0x80, s26, s0, $0xb8;
	[tilespmem:$0x1E180] =	vst v63  }
0x155: {  	_ =	swait.ge [sflag:s8], $0x800  }
0x156: {  	[sflag:s8] =	ssyncset.done $0x0  }
0x157: {  	[sflag:s8] =	ssyncadd.s32 $0xFFFFF800  }
0x158: {  	[bflag:$0x0] =	sbarrier.arrive $0xFFFF  }
0x159: {  	[tilespmem:s9], [sflag:$0x6] =	stream.linear.gather [spmem:s25], $0x2800, $0x38;
	[tilespmem:$0x1E180] =	vst v63  }
0x15a: {  	_ =	swait.ge [sflag:s8], $0x2800  }
0x15b: {  	[sflag:s8] =	ssyncset.done $0x0  }
0x15c: {  	s26 =	rddreg [dreg:$0xd];
	[sflag:s8] =	ssyncadd.s32 $0xFFFFD800  }
0x15d: {  	[hbm4b:s26+s1] =	stream.linear.scatter [tilespmem:s9], [sflag:$0x5], $0x2800, $0x38;
	[tilespmem:$0x1E180] =	vst v63  }
0x15e: {  	s4 =	rddreg [dreg:$0x1a]  }
0x15f: {  	[tilespmem:s13], [sflag:$0x6] =	stream.linear.gather [spmem:s4], $0x2800, $0x38;
	[tilespmem:$0x1E180] =	vst v63  }
0x160: {  	_ =	swait.ge [sflag:s8], $0x2800  }
0x161: {  	[sflag:s8] =	ssyncset.done $0x0  }
0x162: {  	s5 =	rddreg [dreg:$0xe];
	[sflag:s8] =	ssyncadd.s32 $0xFFFFD800  }
0x163: {  	[hbm4b:s5+s1] =	stream.linear.scatter [tilespmem:s13], [sflag:$0x5], $0x2800, $0x38;
	[tilespmem:$0x1E180] =	vst v63  }
0x164: {  	_ =	swait.ge [sflag:s10], $0x2800  }
0x165: {  	[sflag:s10] =	ssyncset.done $0x0  }
0x166: {  	[sflag:s10] =	ssyncadd.s32 $0xFFFFD800  }
0x167: {  	[tilespmem:s9], [sflag:$0x6] =	stream.linear.gather [spmem:s28], $0x2800, $0x38;
	[tilespmem:$0x1E180] =	vst v63  }
0x168: {  	_ =	swait.ge [sflag:s8], $0x2800  }
0x169: {  	[sflag:s8] =	ssyncset.done $0x0  }
0x16a: {  	s6 =	rddreg [dreg:$0xf];
	[sflag:s8] =	ssyncadd.s32 $0xFFFFD800  }
0x16b: {  	[hbm4b:s6+s1] =	stream.linear.scatter [tilespmem:s9], [sflag:$0x5], $0x2800, $0x38;
	[tilespmem:$0x1E180] =	vst v63  }
0x16c: {  	_ =	swait.ge [sflag:s10], $0x2800  }
0x16d: {  	[sflag:s10] =	ssyncset.done $0x0  }
0x16e: {  	s24 =	rddreg [dreg:$0x18];
	[sflag:s10] =	ssyncadd.s32 $0xFFFFD800  }
0x16f: {  	[tilespmem:s13], [sflag:$0x6] =	stream.linear.gather [spmem:s24], $0x2800, $0x38;
	[tilespmem:$0x1E180] =	vst v63  }
0x170: {  	_ =	swait.ge [sflag:s8], $0x2800  }
0x171: {  	[sflag:s8] =	ssyncset.done $0x0  }
0x172: {  	s26 =	rddreg [dreg:$0x10];
	[sflag:s8] =	ssyncadd.s32 $0xFFFFD800  }
0x173: {  	[hbm4b:s26+s1] =	stream.linear.scatter [tilespmem:s13], [sflag:$0x5], $0x2800, $0x38;
	[tilespmem:$0x1E180] =	vst v63  }
0x174: {  	_ =	swait.ge [sflag:s10], $0x2800  }
0x175: {  	[sflag:s10] =	ssyncset.done $0x0  }
0x176: {  	[sflag:s10] =	ssyncadd.s32 $0xFFFFD800  }
0x177: {  	[tilespmem:s9], [sflag:$0x6] =	stream.linear.gather [spmem:s29], $0x2800, $0x38;
	[tilespmem:$0x1E180] =	vst v63  }
0x178: {  	_ =	swait.ge [sflag:s8], $0x2800  }
0x179: {  	[sflag:s8] =	ssyncset.done $0x0  }
0x17a: {  	s4 =	rddreg [dreg:$0x11];
	[sflag:s8] =	ssyncadd.s32 $0xFFFFD800  }
0x17b: {  	[hbm4b:s4+s1] =	stream.linear.scatter [tilespmem:s9], [sflag:$0x5], $0x2800, $0x38;
	[tilespmem:$0x1E180] =	vst v63  }
0x17c: {  	_ =	swait.ge [sflag:s10], $0x2800  }
0x17d: {  	[sflag:s10] =	ssyncset.done $0x0  }
0x17e: {  	s5 =	rddreg [dreg:$0x19];
	[sflag:s10] =	ssyncadd.s32 $0xFFFFD800  }
0x17f: {  	[tilespmem:s13], [sflag:$0x6] =	stream.linear.gather [spmem:s5], $0x2800, $0x38;
	[tilespmem:$0x1E180] =	vst v63  }
0x180: {  	_ =	swait.ge [sflag:s8], $0x2800  }
0x181: {  	[sflag:s8] =	ssyncset.done $0x0  }
0x182: {  	s6 =	rddreg [dreg:$0x12];
	[sflag:s8] =	ssyncadd.s32 $0xFFFFD800  }
0x183: {  	[hbm4b:s6+s1] =	stream.linear.scatter [tilespmem:s13], [sflag:$0x5], $0x2800, $0x38;
	[tilespmem:$0x1E180] =	vst v63  }
0x184: {  	_ =	swait.ge [sflag:s10], $0x2800  }
0x185: {  	[sflag:s10] =	ssyncset.done $0x0  }
0x186: {  	[sflag:s10] =	ssyncadd.s32 $0xFFFFD800  }
0x187: {  	[tilespmem:s9], [sflag:$0x6] =	stream.linear.gather [spmem:s30], $0x2800, $0x38;
	[tilespmem:$0x1E180] =	vst v63  }
0x188: {  	_ =	swait.ge [sflag:s8], $0x2800  }
0x189: {  	[sflag:s8] =	ssyncset.done $0x0  }
0x18a: {  	s0 =	simm.s32 @!p0 $0x5;
	s24 =	rddreg [dreg:$0x13];
	[sflag:s8] =	ssyncadd.s32 $0xFFFFD800  }
0x18b: {  	[hbm4b:s24+s1] =	stream.linear.scatter [tilespmem:s9], [sflag:$0x5], $0x2800, $0x38;
	[tilespmem:$0x1E180] =	vst v63  }
0x18c: {  	_ =	swait.ge @!p0 [sflag:s0], $0x2800  }
0x18d: {  	[sflag:s0] =	ssyncset.done @!p0 $0x0  }
0x18e: {  	s4 =	simm.s32 @!p0 $0x6;
	[sflag:s0] =	ssyncadd.s32 @!p0 $0xFFFFD800;
	s0 =	simm.s32 @!p0 $0x6900  }
0x18f: {  	[tilespmem:s0], [sflag:$0x6] =	stream.linear.gather @!p0 [spmem:s31], $0x2800, $0x38;
	[tilespmem:$0x1E180] =	vst v63  }
0x190: {  	_ =	swait.ge @!p0 [sflag:s4], $0x2800  }
0x191: {  	[sflag:s4] =	ssyncset.done @!p0 $0x0  }
0x192: {  	s5 =	rddreg [dreg:$0x14];
	[sflag:s4] =	ssyncadd.s32 @!p0 $0xFFFFD800;
	s4 =	simm.s32 @!p0 $0x0  }
0x193: {  	[hbm4b:s5+s4] =	stream.linear.scatter @!p0 [tilespmem:s0], [sflag:$0x5], $0x2800, $0x38;
	[tilespmem:$0x1E180] =	vst v63  }
0x194: {  	_ =	swait.ge [sflag:s10], $0x2800  }
0x195: {  	[sflag:s10] =	ssyncset.done $0x0  }
0x196: {  	[sflag:s10] =	ssyncadd.s32 $0xFFFFD800  }
0x197: {  	_ =	swait.ge [sflag:s10], $0x2800  }
0x198: {  	s7 =	sadd.s32 $0x1, s7;
	s26 =	rddreg [dreg:$0x17]  }
0x199: {  	p2 =	sne.s32 s7, s26  }
.Ltmp4:
0x19a: {  	_ = 	snop;
	(pc) =	sbr.rel @p2 .LBB2_1-.Ltmp4, $3  }
0x19b: {  	_ =	sdelay $0x1  }
0x19c: {  	[sflag:s10] =	ssyncset.done $0x0  }
0x19d: {  	[sflag:s10] =	ssyncadd.s32 $0xFFFFD800  }
0x19e: {  	_ =	sfence.sel $0x180000  }
0x19f: {  	[bflag:$0x0] =	sbarrier.arrive $0xFFFF  }
0x1a0: {  	_ =	strace $0x90000047  }
0x1a1: {  	s0 =	stileid.u32;
	[bflag:$0x2] =	sbarrier.arrive $0xFFFF  }
0x1a2: {  	p0 =	sne.s32 s0, $0x0;
	s0 =	rddreg [dreg:$0x4]  }
0x1a3: {  	s0 =	sadd.s32 @!p0 $0x100000, s0  }
0x1a4: {  	[sflag:s0] =	ssyncadd.tile.s32 @!p0 $0x1;
	_ =	shalt  }
.Lfunc_end2:
_tile_overlayer_lowered:
.L_overlay_start_2:
0x1a5: {  	(tag) =	ssettag $0x2  }
0x1a6: {  	s0 =	rddreg [dreg:$0x0];
	s2 =	stileid.u32  }
0x1a7: {  	s1 =	rddreg [dreg:$0x1];
	p0 =	sne.s32 s2, $0x0  }
0x1a8: {  	s3 =	rddreg [dreg:$0x2];
	[bflag:$0x3] =	sbarrier.arrive $0xFFFF;
	s2 =	simm.s32 @!p0 $0x1C06  }
0x1a9: {  	[timem:s3], [sflag:s2] =	dma.local @!p0 [hbm:s0], s1  }
0x1aa: {  	s0 =	simm.s32 @!p0 $0x6  }
0x1ab: {  	_ =	swait.ge @!p0 [sflag:s0], s1  }
0x1ac: {  	s1 =	ssub.s32 @!p0 $0x0, s1;
	[sflag:s0] =	ssyncset.done @!p0 $0x0  }
0x1ad: {  	[sflag:s0] =	ssyncadd.s32 @!p0 s1  }
0x1ae: {  	[bflag:$0x3] =	sbarrier.arrive $0xFFFF  }
0x1af: {  	_ =	shalt  }

</sc_bundles>
